<compile_context>
chip_gen: v7x
topology: tpu7x:2x2x1
jax: 0.10.2.dev20260603
libtpu: 0.0.44.dev20260713+nightly
codegen_flags: <defaults>
</compile_context>

<pallas_src>
import functools

import jax
import jax.numpy as jnp
from jax import lax
from jax.experimental import pallas as pl
from jax.experimental.pallas import tpu as pltpu
from jax.experimental.pallas import tpu_sc as plsc

N = 10000
E = 320000
EMB = 128
NP = 10240
NSC, NSUB = 2, 16
NW = NSC * NSUB
CH = 128
NCH = 160
BPW = CH * NCH
EP2 = NW * BPW
BE = 2560


def _tables_x_body(xp, nt, whi, bias, out):
    xb = xp[...]
    m = jnp.max(jnp.abs(xb), axis=1, keepdims=True) == 0.0
    xe = jnp.where(m, nt[...][0][None, :], xb)
    acc = jnp.dot(xe, whi[0], preferred_element_type=jnp.float32)
    out[...] = (acc + bias[...][0])[None]


def _tables_add_body(tx, hl, wlo, out):
    acc = jnp.dot(hl[...], wlo[0], preferred_element_type=jnp.float32)
    out[...] = tx[...] + acc[None]


def _edge_body(qb, ab, gab, gbb, wq, wa, w2, b2, out):
    z = jnp.dot(qb[...], wq[...], preferred_element_type=jnp.float32)
    z += jnp.dot(ab[...], wa[...], preferred_element_type=jnp.float32)
    z += gab[...] + gbb[...]
    h = jnp.maximum(z, 0.0)
    o = jnp.dot(h, w2[...], preferred_element_type=jnp.float32)
    out[...] = o + b2[...][0][None, :]


RB = 1280


def _build_tables_x(xp, non_text_emb, whi, bias):
    return pl.pallas_call(
        _tables_x_body,
        grid=(2, NP // RB),
        in_specs=[
            pl.BlockSpec((RB, EMB), lambda h, i: (i, 0)),
            pl.BlockSpec((1, EMB), lambda h, i: (0, 0)),
            pl.BlockSpec((1, EMB, EMB), lambda h, i: (h, 0, 0)),
            pl.BlockSpec((1, 1, EMB), lambda h, i: (h, 0, 0)),
        ],
        out_specs=pl.BlockSpec((1, RB, EMB), lambda h, i: (h, i, 0)),
        out_shape=jax.ShapeDtypeStruct((2, NP, EMB), jnp.float32),
    )(xp, non_text_emb, whi, bias)


def _add_lowrank(tx, hl, wlo):
    return pl.pallas_call(
        _tables_add_body,
        grid=(2, NP // RB),
        in_specs=[
            pl.BlockSpec((1, RB, EMB), lambda h, i: (h, i, 0)),
            pl.BlockSpec((RB, 16), lambda h, i: (i, 0)),
            pl.BlockSpec((1, 16, EMB), lambda h, i: (h, 0, 0)),
        ],
        out_specs=pl.BlockSpec((1, RB, EMB), lambda h, i: (h, i, 0)),
        out_shape=jax.ShapeDtypeStruct((2, NP, EMB), jnp.float32),
    )(tx, hl, wlo)


def _edge_mlp(q_emb, edge_attr, g, wq, wa, w2, b2):
    nblk = E // BE
    return pl.pallas_call(
        _edge_body,
        grid=(nblk,),
        in_specs=[
            pl.BlockSpec((BE, EMB), lambda i: (i, 0)),
            pl.BlockSpec((BE, EMB), lambda i: (i, 0)),
            pl.BlockSpec((BE, EMB), lambda i: (i, 0)),
            pl.BlockSpec((BE, EMB), lambda i: (E // BE + i, 0)),
            pl.BlockSpec((EMB, EMB), lambda i: (0, 0)),
            pl.BlockSpec((EMB, EMB), lambda i: (0, 0)),
            pl.BlockSpec((EMB, 1), lambda i: (0, 0)),
            pl.BlockSpec((1, 1), lambda i: (0, 0)),
        ],
        out_specs=pl.BlockSpec((BE, 1), lambda i: (i, 0)),
        out_shape=jax.ShapeDtypeStruct((E, 1), jnp.float32),
    )(q_emb, edge_attr, g, g, wq, wa, w2, b2)


_SC_MESH = plsc.VectorSubcoreMesh(
    core_axis_name="c", subcore_axis_name="s", num_cores=NSC, num_subcores=NSUB)


_NBUF = 2


@functools.partial(
    pl.kernel,
    out_type=jax.ShapeDtypeStruct((EP2, EMB), jnp.float32),
    mesh=_SC_MESH,
    scratch_types=[
        pltpu.VMEM((BPW,), jnp.int32),
        [pltpu.VMEM((CH, EMB), jnp.float32) for _ in range(_NBUF)],
        [pltpu.SemaphoreType.DMA for _ in range(_NBUF)],
    ],
)
def _sc_gather(t_hbm, idx_hbm, out_hbm, idx_v, bufs, sems):
    wid = lax.axis_index("s") * NSC + lax.axis_index("c")
    base = wid * BPW
    pltpu.sync_copy(idx_hbm.at[pl.ds(base, BPW)], idx_v)
    for b in range(_NBUF):
        pltpu.async_copy(t_hbm.at[idx_v.at[pl.ds(b * CH, CH)]], bufs[b], sems[b])

    def group(g):
        j0 = _NBUF * g
        for b in range(_NBUF):
            j = j0 + b
            pltpu.make_async_copy(t_hbm.at[pl.ds(0, CH)], bufs[b], sems[b]).wait()
            pltpu.sync_copy(bufs[b], out_hbm.at[pl.ds(base + j * CH, CH)])

            @pl.when(j + _NBUF < NCH)
            def _():
                pltpu.async_copy(
                    t_hbm.at[idx_v.at[pl.ds((j + _NBUF) * CH, CH)]], bufs[b], sems[b])

    pl.loop(0, NCH // _NBUF)(group)


ECH = 128
ENCH = 157
ETW = ECH * ENCH
EPAD = NSUB * ETW
NSL = NP // NSUB


@functools.partial(
    pl.kernel,
    out_type=jax.ShapeDtypeStruct((8, NP), jnp.float32),
    mesh=_SC_MESH,
    compiler_params=pltpu.CompilerParams(needs_layout_passes=False),
    scratch_types=[
        pltpu.VMEM((ETW,), jnp.int32),
        pltpu.VMEM((ENCH, ECH), jnp.int32),
        pltpu.VMEM((ECH,), jnp.float32),
        pltpu.VMEM((ECH,), jnp.float32),
        pltpu.VMEM((ECH,), jnp.float32),
        pltpu.VMEM((NSL,), jnp.float32),
        pltpu.VMEM((NSL,), jnp.float32),
        pltpu.VMEM((NSL,), jnp.float32),
        pltpu.VMEM((NSL,), jnp.float32),
        pltpu.VMEM((NSL,), jnp.float32),
        pltpu.VMEM((NP,), jnp.float32),
        pltpu.VMEM((NP,), jnp.float32),
        pltpu.VMEM((NSL,), jnp.float32),
        pltpu.VMEM((NSL,), jnp.float32),
        pltpu.VMEM_SHARED((NP,), jnp.float32),
        pltpu.VMEM_SHARED((NP,), jnp.float32),
        pltpu.VMEM_SHARED((NP,), jnp.float32),
        pltpu.VMEM_SHARED((NP,), jnp.float32),
        pltpu.VMEM_SHARED((NP,), jnp.float32),
    ],
)
def _sc_dde(srcf, dstf, srcr, dstr, topic, out, sv, dv, m0v, m1v, ones_v,
            zsl, a0v, a1v, dgv, dmv, h0v, h1v, h0s, h1s,
            agg0_sh, agg1_sh, deg_sh, h0_sh, h1_sh):
    cid = lax.axis_index("c")
    sid = lax.axis_index("s")
    zf = jnp.zeros((16,), jnp.float32)
    onef = jnp.full((16,), 1.0, jnp.float32)

    @pl.when(cid == 0)
    def _():
        pltpu.sync_copy(srcf.at[pl.ds(sid * ETW, ETW)], sv)
        pltpu.sync_copy(dstr.at[sid], dv)

    @pl.when(cid == 1)
    def _():
        pltpu.sync_copy(dstf.at[pl.ds(sid * ETW, ETW)], sv)
        pltpu.sync_copy(srcr.at[sid], dv)

    pltpu.sync_copy(topic.at[0], h0v)
    pltpu.sync_copy(topic.at[1], h1v)

    for b in range(ECH // 16):
        ones_v[pl.ds(16 * b, 16)] = onef

    def zr(i):
        zsl[pl.ds(16 * i, 16)] = zf
    pl.loop(0, NSL // 16)(zr)
    nb = sid * NSL
    sl = pl.ds(nb, NSL)
    pltpu.sync_copy(zsl, agg0_sh.at[sl])
    pltpu.sync_copy(zsl, agg1_sh.at[sl])
    pltpu.sync_copy(zsl, deg_sh.at[sl])
    plsc.subcore_barrier()

    for r in range(2):
        def chunk(j):
            for b in range(ECH // 16):
                s16 = sv[pl.ds(j * ECH + 16 * b, 16)]
                m0v[pl.ds(16 * b, 16)] = plsc.load_gather(h0v, [s16])
                m1v[pl.ds(16 * b, 16)] = plsc.load_gather(h1v, [s16])
            pltpu.sync_copy(m0v, agg0_sh.at[dv.at[j]], add=True)
            pltpu.sync_copy(m1v, agg1_sh.at[dv.at[j]], add=True)
            if r == 0:
                pltpu.sync_copy(ones_v, deg_sh.at[dv.at[j]], add=True)
        pl.loop(0, ENCH)(chunk)
        plsc.subcore_barrier()

        pltpu.sync_copy(agg0_sh.at[sl], a0v)
        pltpu.sync_copy(agg1_sh.at[sl], a1v)
        pltpu.sync_copy(zsl, agg0_sh.at[sl])
        pltpu.sync_copy(zsl, agg1_sh.at[sl])
        if r == 0:
            pltpu.sync_copy(deg_sh.at[sl], dgv)

            def dmx(i):
                dmv[pl.ds(16 * i, 16)] = jnp.maximum(dgv[pl.ds(16 * i, 16)], 1.0)
            pl.loop(0, NSL // 16)(dmx)

        def red(i):
            s = pl.ds(16 * i, 16)
            h0s[s] = a0v[s] / dmv[s]
            h1s[s] = a1v[s] / dmv[s]
        pl.loop(0, NSL // 16)(red)
        pltpu.sync_copy(h0s, h0_sh.at[sl])
        pltpu.sync_copy(h1s, h1_sh.at[sl])
        row0 = cid * 4 + 2 * r
        pltpu.sync_copy(h0s, out.at[row0, sl])
        pltpu.sync_copy(h1s, out.at[row0 + 1, sl])
        plsc.subcore_barrier()
        pltpu.sync_copy(h0_sh, h0v)
        pltpu.sync_copy(h1_sh, h1v)


def _dde(topic, src, dst):
    pad = EPAD - E
    srcp = jnp.concatenate([src, jnp.full((pad,), NP - 1, jnp.int32)])
    dstp = jnp.concatenate([dst, jnp.full((pad,), NP - 1, jnp.int32)])
    topic_pl = jnp.pad(topic, ((0, NP - N), (0, 0))).T
    dde_pl = _sc_dde(srcp, dstp, srcp.reshape(NSUB, ENCH, ECH),
                     dstp.reshape(NSUB, ENCH, ECH), topic_pl)
    return dde_pl[:, :N].T


def kernel(x, edge_index, edge_attr, topic_signal, q_emb, non_text_emb, W1, b1, W2, b2):
    src = edge_index[0]
    dst = edge_index[1]

    dde = _dde(topic_signal, src, dst)
    hl = jnp.concatenate([topic_signal, dde], axis=1)
    hl = jnp.pad(hl, ((0, NP - N), (0, 6)))
    xp = jnp.pad(x, ((0, NP - N), (0, 0)))

    whi = jnp.stack([W1[128:256], W1[394:522]])
    wlo = jnp.stack([jnp.pad(W1[256:266], ((0, 6), (0, 0))),
                     jnp.pad(W1[522:532], ((0, 6), (0, 0)))])
    bias = jnp.stack([b1, jnp.zeros_like(b1)])[:, None, :]

    tx = _build_tables_x(xp, non_text_emb, whi, bias)
    tables = _add_lowrank(tx, hl, wlo)
    t2 = tables.reshape(2 * NP, EMB)

    idx = jnp.concatenate([src, dst + NP])
    idx = jnp.pad(idx, (0, EP2 - 2 * E))
    g = _sc_gather(t2, idx)

    out = _edge_mlp(q_emb, edge_attr, g, W1[0:128], W1[266:394], W2, b2.reshape(1, 1))
    return out.reshape(E)

# --- scband reference (transcript-rebuilt; emitter-appended) ---
"""Pipeline reference for scband-retriever-52192442581252 (READ-ONLY COPY).

The authoritative reference and input builder live on the scoring server;
editing this copy changes nothing except your own understanding.
"""

import jax, jax.numpy as jnp
import numpy as np

N = 10000
E_EDGES = 320000
EMB = 128
NUM_ROUNDS = 2
NUM_REVERSE_ROUNDS = 2
PRED_IN = 4 * EMB + 2 * 2 + 2 * 2 * (NUM_ROUNDS + NUM_REVERSE_ROUNDS)  # 532


def pe_conv(h, src, dst):
    # PyG MessagePassing(aggr='mean'): mean of messages h[src] aggregated at dst
    msg = jnp.take(h, src, axis=0)
    agg = jax.ops.segment_sum(msg, dst, num_segments=N)
    deg = jax.ops.segment_sum(jnp.ones((src.shape[0], 1), dtype=h.dtype), dst, num_segments=N)
    return agg / jnp.maximum(deg, 1.0)


def setup_inputs(seed: int = 0) -> dict:
    key = jax.random.key(seed)
    ks = jax.random.split(key, 12)
    x = jax.random.normal(ks[0], (N, EMB), dtype=jnp.float32)
    edge_index = jax.random.randint(ks[1], (2, E_EDGES), 0, N, dtype=jnp.int32)
    edge_attr = jax.random.normal(ks[2], (E_EDGES, EMB), dtype=jnp.float32)
    topic_signal = jax.random.uniform(ks[3], (N, 2), dtype=jnp.float32)
    q_emb = jax.random.normal(ks[4], (E_EDGES, EMB), dtype=jnp.float32)
    # parameters
    non_text_emb = jax.random.normal(ks[5], (1, EMB), dtype=jnp.float32)
    W1 = jax.random.normal(ks[6], (PRED_IN, EMB), dtype=jnp.float32) * (1.0 / np.sqrt(PRED_IN))
    b1 = jnp.zeros((EMB,), dtype=jnp.float32)
    W2 = jax.random.normal(ks[7], (EMB, 1), dtype=jnp.float32) * (1.0 / np.sqrt(EMB))
    b2 = jnp.zeros((1,), dtype=jnp.float32)
    return {"x": x, "edge_index": edge_index, "edge_attr": edge_attr,
            "topic_signal": topic_signal, "q_emb": q_emb,
            "non_text_emb": non_text_emb, "W1": W1, "b1": b1, "W2": W2, "b2": b2}


def reference(x, edge_index, edge_attr, topic_signal, q_emb, non_text_emb, W1, b1, W2, b2):
    # replace all-zero node feature rows with the learned non-text entity embedding
    zero_mask = jnp.all(x == 0, axis=1)
    x = jnp.where(zero_mask[:, None], non_text_emb[0][None, :], x)
    src = edge_index[0]
    dst = edge_index[1]
    h_e_list = [x, topic_signal]
    # DDE: forward rounds over edge_index, reverse rounds over flipped edges
    h = topic_signal
    for _ in range(NUM_ROUNDS):
        h = pe_conv(h, src, dst)
        h_e_list.append(h)
    h = topic_signal
    for _ in range(NUM_REVERSE_ROUNDS):
        h = pe_conv(h, dst, src)
        h_e_list.append(h)
    h_e = jnp.concatenate(h_e_list, axis=1)
    h_head = jnp.take(h_e, src, axis=0)
    h_tail = jnp.take(h_e, dst, axis=0)
    h_triple = jnp.concatenate([q_emb, h_head, edge_attr, h_tail], axis=1)
    hidden = jax.nn.relu(h_triple @ W1 + b1)
    out = hidden @ W2 + b2
    return out.squeeze()

if __name__ == "__main__":
    import jax
    _d = setup_inputs()
    print(jax.jit(kernel)(*tuple(_d.values())))

</pallas_src>

<mosaic_0001>
#map = affine_map<(d0, d1) -> (0, 0)>
#map1 = affine_map<(d0, d1) -> (0)>
module attributes {stable_mosaic.version = 14 : i64} {
  func.func @_sc_gather(%arg0: i32, %arg1: i32, %arg2: memref<20480x128xf32, #tpu.memory_space<hbm>>, %arg3: memref<655360xi32, #tpu.memory_space<hbm>>, %arg4: memref<655360x128xf32, #tpu.memory_space<hbm>>, %arg5: memref<20480xi32, #tpu.memory_space<vmem>>, %arg6: memref<128x128xf32, #tpu.memory_space<vmem>>, %arg7: memref<128x128xf32, #tpu.memory_space<vmem>>, %arg8: memref<!tpu.dma_semaphore, #tpu.memory_space<semaphore_mem>>, %arg9: memref<!tpu.dma_semaphore, #tpu.memory_space<semaphore_mem>>) attributes {dimension_semantics = [#tpu.dimension_semantics<core_parallel>, #tpu.dimension_semantics<subcore_parallel>], iteration_bounds = array<i64: 2, 16>, scalar_prefetch = 0 : i64, scratch_operands = 5 : i64, tpu.core_type = #tpu.core_type<sc_vector_subcore>, window_params = [{transform_indices = #map}, {transform_indices = #map1}, {transform_indices = #map}]} {
    %mul3A = arith.constant 2 : i32
    %mul3A_0 = arith.muli %arg1, %mul3A : i32
    %add3A = arith.addi %mul3A_0, %arg0 : i32
    %mul3A_1 = arith.constant 20480 : i32
    %mul3A_2 = arith.muli %add3A, %mul3A_1 : i32
    "tpu.region"() ({
      %run_scoped3A = tpu.sem_alloc : memref<!tpu.dma_semaphore, #tpu.memory_space<semaphore_mem>>
      %dma_start3A_16 = tpu.memref_slice %arg3[%mul3A_2] : memref<655360xi32, #tpu.memory_space<hbm>> -> memref<20480xi32, #tpu.memory_space<hbm>>
      %dma_start3A_17 = tpu.memref_slice %arg3[%mul3A_2] : memref<655360xi32, #tpu.memory_space<hbm>> -> memref<20480xi32, #tpu.memory_space<hbm>>
      tpu.enqueue_dma source(%dma_start3A_17 : memref<20480xi32, #tpu.memory_space<hbm>>) target(%arg5 : memref<20480xi32, #tpu.memory_space<vmem>>) target_semaphore(%run_scoped3A : memref<!tpu.dma_semaphore, #tpu.memory_space<semaphore_mem>>)
      %dma_wait3A = tpu.memref_slice %arg3[%mul3A_2] : memref<655360xi32, #tpu.memory_space<hbm>> -> memref<20480xi32, #tpu.memory_space<hbm>>
      %dma_wait3A_18 = tpu.memref_slice %arg3[%mul3A_2] : memref<655360xi32, #tpu.memory_space<hbm>> -> memref<20480xi32, #tpu.memory_space<hbm>>
      tpu.wait_dma2 semaphore(%run_scoped3A : memref<!tpu.dma_semaphore, #tpu.memory_space<semaphore_mem>>) src(%dma_wait3A_18 : memref<20480xi32, #tpu.memory_space<hbm>>) dst(%arg5 : memref<20480xi32, #tpu.memory_space<vmem>>)
      tpu.yield
    }) : () -> ()
    %dma_start3A = arith.constant 0 : i32
    %dma_start3A_3 = tpu.memref_slice %arg5[%dma_start3A] : memref<20480xi32, #tpu.memory_space<vmem>> -> memref<128xi32, #tpu.memory_space<vmem>>
    %dma_start3A_4 = arith.constant 0 : i32
    %dma_start3A_5 = arith.constant 0 : i32
    %dma_start3A_6 = tpu.memref_slice %arg2[%dma_start3A_4, %dma_start3A_5] : memref<20480x128xf32, #tpu.memory_space<hbm>> -> memref<20480x128xf32, #tpu.memory_space<hbm>>
    tpu.enqueue_indirect_dma source(%dma_start3A_6 : memref<20480x128xf32, #tpu.memory_space<hbm>>) target(%arg6 : memref<128x128xf32, #tpu.memory_space<vmem>>) offsets(%dma_start3A_3 : memref<128xi32, #tpu.memory_space<vmem>>) semaphore(%arg8 : memref<!tpu.dma_semaphore, #tpu.memory_space<semaphore_mem>>)
    %dma_start3A_7 = arith.constant 128 : i32
    %dma_start3A_8 = tpu.memref_slice %arg5[%dma_start3A_7] : memref<20480xi32, #tpu.memory_space<vmem>> -> memref<128xi32, #tpu.memory_space<vmem>>
    %dma_start3A_9 = arith.constant 0 : i32
    %dma_start3A_10 = arith.constant 0 : i32
    %dma_start3A_11 = tpu.memref_slice %arg2[%dma_start3A_9, %dma_start3A_10] : memref<20480x128xf32, #tpu.memory_space<hbm>> -> memref<20480x128xf32, #tpu.memory_space<hbm>>
    tpu.enqueue_indirect_dma source(%dma_start3A_11 : memref<20480x128xf32, #tpu.memory_space<hbm>>) target(%arg7 : memref<128x128xf32, #tpu.memory_space<vmem>>) offsets(%dma_start3A_8 : memref<128xi32, #tpu.memory_space<vmem>>) semaphore(%arg9 : memref<!tpu.dma_semaphore, #tpu.memory_space<semaphore_mem>>)
    %scan3A = arith.constant 0 : i32
    %scan3A_12 = arith.constant 80 : i32
    %scan3A_13 = arith.addi %scan3A, %scan3A_12 : i32
    %scan3A_14 = arith.constant 1 : i32
    scf.for %scan3A_16 = %scan3A to %scan3A_13 step %scan3A_14  : i32 {
      %mul3A_17 = arith.constant 1 : i32
      %mul3A_18 = arith.muli %scan3A_16, %mul3A_17 : i32
      %add3A_19 = arith.constant 0 : i32
      %add3A_20 = arith.addi %add3A_19, %mul3A_18 : i32
      %mul3A_21 = arith.constant 2 : i32
      %mul3A_22 = arith.muli %mul3A_21, %add3A_20 : i32
      %add3A_23 = arith.constant 0 : i32
      %add3A_24 = arith.addi %mul3A_22, %add3A_23 : i32
      %dma_wait3A = arith.constant 0 : i32
      %dma_wait3A_25 = arith.constant 0 : i32
      %dma_wait3A_26 = tpu.memref_slice %arg2[%dma_wait3A, %dma_wait3A_25] : memref<20480x128xf32, #tpu.memory_space<hbm>> -> memref<128x128xf32, #tpu.memory_space<hbm>>
      %dma_wait3A_27 = arith.constant 0 : i32
      %dma_wait3A_28 = arith.constant 0 : i32
      %dma_wait3A_29 = tpu.memref_slice %arg2[%dma_wait3A_27, %dma_wait3A_28] : memref<20480x128xf32, #tpu.memory_space<hbm>> -> memref<128x128xf32, #tpu.memory_space<hbm>>
      tpu.wait_dma2 semaphore(%arg8 : memref<!tpu.dma_semaphore, #tpu.memory_space<semaphore_mem>>) src(%dma_wait3A_29 : memref<128x128xf32, #tpu.memory_space<hbm>>) dst(%arg6 : memref<128x128xf32, #tpu.memory_space<vmem>>)
      %mul3A_30 = arith.constant 128 : i32
      %mul3A_31 = arith.muli %add3A_24, %mul3A_30 : i32
      %add3A_32 = arith.addi %mul3A_2, %mul3A_31 : i32
      "tpu.region"() ({
        %run_scoped3A = tpu.sem_alloc : memref<!tpu.dma_semaphore, #tpu.memory_space<semaphore_mem>>
        %dma_start3A_55 = arith.constant 0 : i32
        %dma_start3A_56 = tpu.memref_slice %arg4[%add3A_32, %dma_start3A_55] : memref<655360x128xf32, #tpu.memory_space<hbm>> -> memref<128x128xf32, #tpu.memory_space<hbm>>
        %dma_start3A_57 = arith.constant 0 : i32
        %dma_start3A_58 = tpu.memref_slice %arg4[%add3A_32, %dma_start3A_57] : memref<655360x128xf32, #tpu.memory_space<hbm>> -> memref<128x128xf32, #tpu.memory_space<hbm>>
        tpu.enqueue_dma source(%arg6 : memref<128x128xf32, #tpu.memory_space<vmem>>) target(%dma_start3A_58 : memref<128x128xf32, #tpu.memory_space<hbm>>) target_semaphore(%run_scoped3A : memref<!tpu.dma_semaphore, #tpu.memory_space<semaphore_mem>>)
        %dma_wait3A_59 = arith.constant 0 : i32
        %dma_wait3A_60 = tpu.memref_slice %arg4[%add3A_32, %dma_wait3A_59] : memref<655360x128xf32, #tpu.memory_space<hbm>> -> memref<128x128xf32, #tpu.memory_space<hbm>>
        %dma_wait3A_61 = arith.constant 0 : i32
        %dma_wait3A_62 = tpu.memref_slice %arg4[%add3A_32, %dma_wait3A_61] : memref<655360x128xf32, #tpu.memory_space<hbm>> -> memref<128x128xf32, #tpu.memory_space<hbm>>
        tpu.wait_dma2 semaphore(%run_scoped3A : memref<!tpu.dma_semaphore, #tpu.memory_space<semaphore_mem>>) src(%arg6 : memref<128x128xf32, #tpu.memory_space<vmem>>) dst(%dma_wait3A_62 : memref<128x128xf32, #tpu.memory_space<hbm>>)
        tpu.yield
      }) : () -> ()
      %add3A_33 = arith.constant 2 : i32
      %add3A_34 = arith.addi %add3A_24, %add3A_33 : i32
      %lt3A = arith.constant 160 : i32
      %lt3A_35 = arith.cmpi slt, %add3A_34, %lt3A : i32
      %convert_element_type3A = arith.extui %lt3A_35 : i1 to i32
      %cond3A = arith.constant 0 : i32
      %cond3A_36 = arith.cmpi ne, %convert_element_type3A, %cond3A : i32
      scf.if %cond3A_36 {
        %add3A_55 = arith.constant 2 : i32
        %add3A_56 = arith.addi %add3A_24, %add3A_55 : i32
        %mul3A_57 = arith.constant 128 : i32
        %mul3A_58 = arith.muli %add3A_56, %mul3A_57 : i32
        %dma_start3A_59 = tpu.memref_slice %arg5[%mul3A_58] : memref<20480xi32, #tpu.memory_space<vmem>> -> memref<128xi32, #tpu.memory_space<vmem>>
        %dma_start3A_60 = arith.constant 0 : i32
        %dma_start3A_61 = arith.constant 0 : i32
        %dma_start3A_62 = tpu.memref_slice %arg2[%dma_start3A_60, %dma_start3A_61] : memref<20480x128xf32, #tpu.memory_space<hbm>> -> memref<20480x128xf32, #tpu.memory_space<hbm>>
        tpu.enqueue_indirect_dma source(%dma_start3A_62 : memref<20480x128xf32, #tpu.memory_space<hbm>>) target(%arg6 : memref<128x128xf32, #tpu.memory_space<vmem>>) offsets(%dma_start3A_59 : memref<128xi32, #tpu.memory_space<vmem>>) semaphore(%arg8 : memref<!tpu.dma_semaphore, #tpu.memory_space<semaphore_mem>>)
      } else {
      }
      %add3A_37 = arith.constant 1 : i32
      %add3A_38 = arith.addi %mul3A_22, %add3A_37 : i32
      %dma_wait3A_39 = arith.constant 0 : i32
      %dma_wait3A_40 = arith.constant 0 : i32
      %dma_wait3A_41 = tpu.memref_slice %arg2[%dma_wait3A_39, %dma_wait3A_40] : memref<20480x128xf32, #tpu.memory_space<hbm>> -> memref<128x128xf32, #tpu.memory_space<hbm>>
      %dma_wait3A_42 = arith.constant 0 : i32
      %dma_wait3A_43 = arith.constant 0 : i32
      %dma_wait3A_44 = tpu.memref_slice %arg2[%dma_wait3A_42, %dma_wait3A_43] : memref<20480x128xf32, #tpu.memory_space<hbm>> -> memref<128x128xf32, #tpu.memory_space<hbm>>
      tpu.wait_dma2 semaphore(%arg9 : memref<!tpu.dma_semaphore, #tpu.memory_space<semaphore_mem>>) src(%dma_wait3A_44 : memref<128x128xf32, #tpu.memory_space<hbm>>) dst(%arg7 : memref<128x128xf32, #tpu.memory_space<vmem>>)
      %mul3A_45 = arith.constant 128 : i32
      %mul3A_46 = arith.muli %add3A_38, %mul3A_45 : i32
      %add3A_47 = arith.addi %mul3A_2, %mul3A_46 : i32
      "tpu.region"() ({
        %run_scoped3A = tpu.sem_alloc : memref<!tpu.dma_semaphore, #tpu.memory_space<semaphore_mem>>
        %dma_start3A_55 = arith.constant 0 : i32
        %dma_start3A_56 = tpu.memref_slice %arg4[%add3A_47, %dma_start3A_55] : memref<655360x128xf32, #tpu.memory_space<hbm>> -> memref<128x128xf32, #tpu.memory_space<hbm>>
        %dma_start3A_57 = arith.constant 0 : i32
        %dma_start3A_58 = tpu.memref_slice %arg4[%add3A_47, %dma_start3A_57] : memref<655360x128xf32, #tpu.memory_space<hbm>> -> memref<128x128xf32, #tpu.memory_space<hbm>>
        tpu.enqueue_dma source(%arg7 : memref<128x128xf32, #tpu.memory_space<vmem>>) target(%dma_start3A_58 : memref<128x128xf32, #tpu.memory_space<hbm>>) target_semaphore(%run_scoped3A : memref<!tpu.dma_semaphore, #tpu.memory_space<semaphore_mem>>)
        %dma_wait3A_59 = arith.constant 0 : i32
        %dma_wait3A_60 = tpu.memref_slice %arg4[%add3A_47, %dma_wait3A_59] : memref<655360x128xf32, #tpu.memory_space<hbm>> -> memref<128x128xf32, #tpu.memory_space<hbm>>
        %dma_wait3A_61 = arith.constant 0 : i32
        %dma_wait3A_62 = tpu.memref_slice %arg4[%add3A_47, %dma_wait3A_61] : memref<655360x128xf32, #tpu.memory_space<hbm>> -> memref<128x128xf32, #tpu.memory_space<hbm>>
        tpu.wait_dma2 semaphore(%run_scoped3A : memref<!tpu.dma_semaphore, #tpu.memory_space<semaphore_mem>>) src(%arg7 : memref<128x128xf32, #tpu.memory_space<vmem>>) dst(%dma_wait3A_62 : memref<128x128xf32, #tpu.memory_space<hbm>>)
        tpu.yield
      }) : () -> ()
      %add3A_48 = arith.constant 2 : i32
      %add3A_49 = arith.addi %add3A_38, %add3A_48 : i32
      %lt3A_50 = arith.constant 160 : i32
      %lt3A_51 = arith.cmpi slt, %add3A_49, %lt3A_50 : i32
      %convert_element_type3A_52 = arith.extui %lt3A_51 : i1 to i32
      %cond3A_53 = arith.constant 0 : i32
      %cond3A_54 = arith.cmpi ne, %convert_element_type3A_52, %cond3A_53 : i32
      scf.if %cond3A_54 {
        %add3A_55 = arith.constant 2 : i32
        %add3A_56 = arith.addi %add3A_38, %add3A_55 : i32
        %mul3A_57 = arith.constant 128 : i32
        %mul3A_58 = arith.muli %add3A_56, %mul3A_57 : i32
        %dma_start3A_59 = tpu.memref_slice %arg5[%mul3A_58] : memref<20480xi32, #tpu.memory_space<vmem>> -> memref<128xi32, #tpu.memory_space<vmem>>
        %dma_start3A_60 = arith.constant 0 : i32
        %dma_start3A_61 = arith.constant 0 : i32
        %dma_start3A_62 = tpu.memref_slice %arg2[%dma_start3A_60, %dma_start3A_61] : memref<20480x128xf32, #tpu.memory_space<hbm>> -> memref<20480x128xf32, #tpu.memory_space<hbm>>
        tpu.enqueue_indirect_dma source(%dma_start3A_62 : memref<20480x128xf32, #tpu.memory_space<hbm>>) target(%arg7 : memref<128x128xf32, #tpu.memory_space<vmem>>) offsets(%dma_start3A_59 : memref<128xi32, #tpu.memory_space<vmem>>) semaphore(%arg9 : memref<!tpu.dma_semaphore, #tpu.memory_space<semaphore_mem>>)
      } else {
      }
    }
    %scan3A_15 = arith.constant 80 : i32
    return
  }
}

#map = affine_map<(d0, d1) -> (0)>
#map1 = affine_map<(d0, d1) -> (0, 0, 0)>
#map2 = affine_map<(d0, d1) -> (0, 0)>
module attributes {stable_mosaic.version = 14 : i64} {
  func.func @_sc_dde(%arg0: i32, %arg1: i32, %arg2: memref<321536xi32, #tpu.memory_space<hbm>>, %arg3: memref<321536xi32, #tpu.memory_space<hbm>>, %arg4: memref<16x157x128xi32, #tpu.memory_space<hbm>>, %arg5: memref<16x157x128xi32, #tpu.memory_space<hbm>>, %arg6: memref<2x10240xf32, #tpu.memory_space<hbm>>, %arg7: memref<8x10240xf32, #tpu.memory_space<hbm>>, %arg8: memref<20096xi32, #tpu.memory_space<vmem>>, %arg9: memref<157x128xi32, #tpu.memory_space<vmem>>, %arg10: memref<128xf32, #tpu.memory_space<vmem>>, %arg11: memref<128xf32, #tpu.memory_space<vmem>>, %arg12: memref<128xf32, #tpu.memory_space<vmem>>, %arg13: memref<640xf32, #tpu.memory_space<vmem>>, %arg14: memref<640xf32, #tpu.memory_space<vmem>>, %arg15: memref<640xf32, #tpu.memory_space<vmem>>, %arg16: memref<640xf32, #tpu.memory_space<vmem>>, %arg17: memref<640xf32, #tpu.memory_space<vmem>>, %arg18: memref<10240xf32, #tpu.memory_space<vmem>>, %arg19: memref<10240xf32, #tpu.memory_space<vmem>>, %arg20: memref<640xf32, #tpu.memory_space<vmem>>, %arg21: memref<640xf32, #tpu.memory_space<vmem>>, %arg22: memref<10240xf32, #tpu.memory_space<vmem_shared>>, %arg23: memref<10240xf32, #tpu.memory_space<vmem_shared>>, %arg24: memref<10240xf32, #tpu.memory_space<vmem_shared>>, %arg25: memref<10240xf32, #tpu.memory_space<vmem_shared>>, %arg26: memref<10240xf32, #tpu.memory_space<vmem_shared>>) attributes {dimension_semantics = [#tpu.dimension_semantics<core_parallel>, #tpu.dimension_semantics<subcore_parallel>], iteration_bounds = array<i64: 2, 16>, scalar_prefetch = 0 : i64, scratch_operands = 19 : i64, tpu.core_type = #tpu.core_type<sc_vector_subcore>, window_params = [{transform_indices = #map}, {transform_indices = #map}, {transform_indices = #map1}, {transform_indices = #map1}, {transform_indices = #map2}, {transform_indices = #map2}]} {
    %broadcast_in_dim3A = arith.constant 0.000000e+00 : f32
    %broadcast_in_dim3A_0 = vector.broadcast %broadcast_in_dim3A : f32 to vector<16xf32>
    %broadcast_in_dim3A_1 = arith.constant 1.000000e+00 : f32
    %broadcast_in_dim3A_2 = vector.broadcast %broadcast_in_dim3A_1 : f32 to vector<16xf32>
    %eq3A = arith.constant 0 : i32
    %eq3A_3 = arith.cmpi eq, %arg0, %eq3A : i32
    %convert_element_type3A = arith.extui %eq3A_3 : i1 to i32
    %cond3A = arith.constant 0 : i32
    %cond3A_4 = arith.cmpi ne, %convert_element_type3A, %cond3A : i32
    scf.if %cond3A_4 {
      %mul3A_71 = arith.constant 20096 : i32
      %mul3A_72 = arith.muli %arg1, %mul3A_71 : i32
      "tpu.region"() ({
        %run_scoped3A_73 = tpu.sem_alloc : memref<!tpu.dma_semaphore, #tpu.memory_space<semaphore_mem>>
        %dma_start3A = tpu.memref_slice %arg2[%mul3A_72] : memref<321536xi32, #tpu.memory_space<hbm>> -> memref<20096xi32, #tpu.memory_space<hbm>>
        %dma_start3A_74 = tpu.memref_slice %arg2[%mul3A_72] : memref<321536xi32, #tpu.memory_space<hbm>> -> memref<20096xi32, #tpu.memory_space<hbm>>
        tpu.enqueue_dma source(%dma_start3A_74 : memref<20096xi32, #tpu.memory_space<hbm>>) target(%arg8 : memref<20096xi32, #tpu.memory_space<vmem>>) target_semaphore(%run_scoped3A_73 : memref<!tpu.dma_semaphore, #tpu.memory_space<semaphore_mem>>)
        %dma_wait3A = tpu.memref_slice %arg2[%mul3A_72] : memref<321536xi32, #tpu.memory_space<hbm>> -> memref<20096xi32, #tpu.memory_space<hbm>>
        %dma_wait3A_75 = tpu.memref_slice %arg2[%mul3A_72] : memref<321536xi32, #tpu.memory_space<hbm>> -> memref<20096xi32, #tpu.memory_space<hbm>>
        tpu.wait_dma2 semaphore(%run_scoped3A_73 : memref<!tpu.dma_semaphore, #tpu.memory_space<semaphore_mem>>) src(%dma_wait3A_75 : memref<20096xi32, #tpu.memory_space<hbm>>) dst(%arg8 : memref<20096xi32, #tpu.memory_space<vmem>>)
        tpu.yield
      }) : () -> ()
      "tpu.region"() ({
        %run_scoped3A_73 = tpu.sem_alloc : memref<!tpu.dma_semaphore, #tpu.memory_space<semaphore_mem>>
        %dma_start3A = arith.constant 0 : i32
        %dma_start3A_74 = arith.constant 0 : i32
        %dma_start3A_75 = tpu.memref_slice %arg5[%arg1, %dma_start3A, %dma_start3A_74] : memref<16x157x128xi32, #tpu.memory_space<hbm>> -> memref<1x157x128xi32, #tpu.memory_space<hbm>>
        %dma_start3A_76 = tpu.memref_squeeze %dma_start3A_75 : memref<1x157x128xi32, #tpu.memory_space<hbm>> -> memref<157x128xi32, #tpu.memory_space<hbm>>
        %dma_start3A_77 = arith.constant 0 : i32
        %dma_start3A_78 = arith.constant 0 : i32
        %dma_start3A_79 = tpu.memref_slice %arg5[%arg1, %dma_start3A_77, %dma_start3A_78] : memref<16x157x128xi32, #tpu.memory_space<hbm>> -> memref<1x157x128xi32, #tpu.memory_space<hbm>>
        %dma_start3A_80 = tpu.memref_squeeze %dma_start3A_79 : memref<1x157x128xi32, #tpu.memory_space<hbm>> -> memref<157x128xi32, #tpu.memory_space<hbm>>
        tpu.enqueue_dma source(%dma_start3A_80 : memref<157x128xi32, #tpu.memory_space<hbm>>) target(%arg9 : memref<157x128xi32, #tpu.memory_space<vmem>>) target_semaphore(%run_scoped3A_73 : memref<!tpu.dma_semaphore, #tpu.memory_space<semaphore_mem>>)
        %dma_wait3A = arith.constant 0 : i32
        %dma_wait3A_81 = arith.constant 0 : i32
        %dma_wait3A_82 = tpu.memref_slice %arg5[%arg1, %dma_wait3A, %dma_wait3A_81] : memref<16x157x128xi32, #tpu.memory_space<hbm>> -> memref<1x157x128xi32, #tpu.memory_space<hbm>>
        %dma_wait3A_83 = tpu.memref_squeeze %dma_wait3A_82 : memref<1x157x128xi32, #tpu.memory_space<hbm>> -> memref<157x128xi32, #tpu.memory_space<hbm>>
        %dma_wait3A_84 = arith.constant 0 : i32
        %dma_wait3A_85 = arith.constant 0 : i32
        %dma_wait3A_86 = tpu.memref_slice %arg5[%arg1, %dma_wait3A_84, %dma_wait3A_85] : memref<16x157x128xi32, #tpu.memory_space<hbm>> -> memref<1x157x128xi32, #tpu.memory_space<hbm>>
        %dma_wait3A_87 = tpu.memref_squeeze %dma_wait3A_86 : memref<1x157x128xi32, #tpu.memory_space<hbm>> -> memref<157x128xi32, #tpu.memory_space<hbm>>
        tpu.wait_dma2 semaphore(%run_scoped3A_73 : memref<!tpu.dma_semaphore, #tpu.memory_space<semaphore_mem>>) src(%dma_wait3A_87 : memref<157x128xi32, #tpu.memory_space<hbm>>) dst(%arg9 : memref<157x128xi32, #tpu.memory_space<vmem>>)
        tpu.yield
      }) : () -> ()
    } else {
    }
    %eq3A_5 = arith.constant 1 : i32
    %eq3A_6 = arith.cmpi eq, %arg0, %eq3A_5 : i32
    %convert_element_type3A_7 = arith.extui %eq3A_6 : i1 to i32
    %cond3A_8 = arith.constant 0 : i32
    %cond3A_9 = arith.cmpi ne, %convert_element_type3A_7, %cond3A_8 : i32
    scf.if %cond3A_9 {
      %mul3A_71 = arith.constant 20096 : i32
      %mul3A_72 = arith.muli %arg1, %mul3A_71 : i32
      "tpu.region"() ({
        %run_scoped3A_73 = tpu.sem_alloc : memref<!tpu.dma_semaphore, #tpu.memory_space<semaphore_mem>>
        %dma_start3A = tpu.memref_slice %arg3[%mul3A_72] : memref<321536xi32, #tpu.memory_space<hbm>> -> memref<20096xi32, #tpu.memory_space<hbm>>
        %dma_start3A_74 = tpu.memref_slice %arg3[%mul3A_72] : memref<321536xi32, #tpu.memory_space<hbm>> -> memref<20096xi32, #tpu.memory_space<hbm>>
        tpu.enqueue_dma source(%dma_start3A_74 : memref<20096xi32, #tpu.memory_space<hbm>>) target(%arg8 : memref<20096xi32, #tpu.memory_space<vmem>>) target_semaphore(%run_scoped3A_73 : memref<!tpu.dma_semaphore, #tpu.memory_space<semaphore_mem>>)
        %dma_wait3A = tpu.memref_slice %arg3[%mul3A_72] : memref<321536xi32, #tpu.memory_space<hbm>> -> memref<20096xi32, #tpu.memory_space<hbm>>
        %dma_wait3A_75 = tpu.memref_slice %arg3[%mul3A_72] : memref<321536xi32, #tpu.memory_space<hbm>> -> memref<20096xi32, #tpu.memory_space<hbm>>
        tpu.wait_dma2 semaphore(%run_scoped3A_73 : memref<!tpu.dma_semaphore, #tpu.memory_space<semaphore_mem>>) src(%dma_wait3A_75 : memref<20096xi32, #tpu.memory_space<hbm>>) dst(%arg8 : memref<20096xi32, #tpu.memory_space<vmem>>)
        tpu.yield
      }) : () -> ()
      "tpu.region"() ({
        %run_scoped3A_73 = tpu.sem_alloc : memref<!tpu.dma_semaphore, #tpu.memory_space<semaphore_mem>>
        %dma_start3A = arith.constant 0 : i32
        %dma_start3A_74 = arith.constant 0 : i32
        %dma_start3A_75 = tpu.memref_slice %arg4[%arg1, %dma_start3A, %dma_start3A_74] : memref<16x157x128xi32, #tpu.memory_space<hbm>> -> memref<1x157x128xi32, #tpu.memory_space<hbm>>
        %dma_start3A_76 = tpu.memref_squeeze %dma_start3A_75 : memref<1x157x128xi32, #tpu.memory_space<hbm>> -> memref<157x128xi32, #tpu.memory_space<hbm>>
        %dma_start3A_77 = arith.constant 0 : i32
        %dma_start3A_78 = arith.constant 0 : i32
        %dma_start3A_79 = tpu.memref_slice %arg4[%arg1, %dma_start3A_77, %dma_start3A_78] : memref<16x157x128xi32, #tpu.memory_space<hbm>> -> memref<1x157x128xi32, #tpu.memory_space<hbm>>
        %dma_start3A_80 = tpu.memref_squeeze %dma_start3A_79 : memref<1x157x128xi32, #tpu.memory_space<hbm>> -> memref<157x128xi32, #tpu.memory_space<hbm>>
        tpu.enqueue_dma source(%dma_start3A_80 : memref<157x128xi32, #tpu.memory_space<hbm>>) target(%arg9 : memref<157x128xi32, #tpu.memory_space<vmem>>) target_semaphore(%run_scoped3A_73 : memref<!tpu.dma_semaphore, #tpu.memory_space<semaphore_mem>>)
        %dma_wait3A = arith.constant 0 : i32
        %dma_wait3A_81 = arith.constant 0 : i32
        %dma_wait3A_82 = tpu.memref_slice %arg4[%arg1, %dma_wait3A, %dma_wait3A_81] : memref<16x157x128xi32, #tpu.memory_space<hbm>> -> memref<1x157x128xi32, #tpu.memory_space<hbm>>
        %dma_wait3A_83 = tpu.memref_squeeze %dma_wait3A_82 : memref<1x157x128xi32, #tpu.memory_space<hbm>> -> memref<157x128xi32, #tpu.memory_space<hbm>>
        %dma_wait3A_84 = arith.constant 0 : i32
        %dma_wait3A_85 = arith.constant 0 : i32
        %dma_wait3A_86 = tpu.memref_slice %arg4[%arg1, %dma_wait3A_84, %dma_wait3A_85] : memref<16x157x128xi32, #tpu.memory_space<hbm>> -> memref<1x157x128xi32, #tpu.memory_space<hbm>>
        %dma_wait3A_87 = tpu.memref_squeeze %dma_wait3A_86 : memref<1x157x128xi32, #tpu.memory_space<hbm>> -> memref<157x128xi32, #tpu.memory_space<hbm>>
        tpu.wait_dma2 semaphore(%run_scoped3A_73 : memref<!tpu.dma_semaphore, #tpu.memory_space<semaphore_mem>>) src(%dma_wait3A_87 : memref<157x128xi32, #tpu.memory_space<hbm>>) dst(%arg9 : memref<157x128xi32, #tpu.memory_space<vmem>>)
        tpu.yield
      }) : () -> ()
    } else {
    }
    %run_scoped3A = arith.constant 0 : i32
    "tpu.region"() ({
      %run_scoped3A_71 = tpu.sem_alloc : memref<!tpu.dma_semaphore, #tpu.memory_space<semaphore_mem>>
      %dma_start3A = arith.constant 0 : i32
      %dma_start3A_72 = tpu.memref_slice %arg6[%run_scoped3A, %dma_start3A] : memref<2x10240xf32, #tpu.memory_space<hbm>> -> memref<1x10240xf32, #tpu.memory_space<hbm>>
      %dma_start3A_73 = tpu.memref_squeeze %dma_start3A_72 : memref<1x10240xf32, #tpu.memory_space<hbm>> -> memref<10240xf32, #tpu.memory_space<hbm>>
      %dma_start3A_74 = arith.constant 0 : i32
      %dma_start3A_75 = tpu.memref_slice %arg6[%run_scoped3A, %dma_start3A_74] : memref<2x10240xf32, #tpu.memory_space<hbm>> -> memref<1x10240xf32, #tpu.memory_space<hbm>>
      %dma_start3A_76 = tpu.memref_squeeze %dma_start3A_75 : memref<1x10240xf32, #tpu.memory_space<hbm>> -> memref<10240xf32, #tpu.memory_space<hbm>>
      tpu.enqueue_dma source(%dma_start3A_76 : memref<10240xf32, #tpu.memory_space<hbm>>) target(%arg18 : memref<10240xf32, #tpu.memory_space<vmem>>) target_semaphore(%run_scoped3A_71 : memref<!tpu.dma_semaphore, #tpu.memory_space<semaphore_mem>>)
      %dma_wait3A = arith.constant 0 : i32
      %dma_wait3A_77 = tpu.memref_slice %arg6[%run_scoped3A, %dma_wait3A] : memref<2x10240xf32, #tpu.memory_space<hbm>> -> memref<1x10240xf32, #tpu.memory_space<hbm>>
      %dma_wait3A_78 = tpu.memref_squeeze %dma_wait3A_77 : memref<1x10240xf32, #tpu.memory_space<hbm>> -> memref<10240xf32, #tpu.memory_space<hbm>>
      %dma_wait3A_79 = arith.constant 0 : i32
      %dma_wait3A_80 = tpu.memref_slice %arg6[%run_scoped3A, %dma_wait3A_79] : memref<2x10240xf32, #tpu.memory_space<hbm>> -> memref<1x10240xf32, #tpu.memory_space<hbm>>
      %dma_wait3A_81 = tpu.memref_squeeze %dma_wait3A_80 : memref<1x10240xf32, #tpu.memory_space<hbm>> -> memref<10240xf32, #tpu.memory_space<hbm>>
      tpu.wait_dma2 semaphore(%run_scoped3A_71 : memref<!tpu.dma_semaphore, #tpu.memory_space<semaphore_mem>>) src(%dma_wait3A_81 : memref<10240xf32, #tpu.memory_space<hbm>>) dst(%arg18 : memref<10240xf32, #tpu.memory_space<vmem>>)
      tpu.yield
    }) : () -> ()
    %run_scoped3A_10 = arith.constant 1 : i32
    "tpu.region"() ({
      %run_scoped3A_71 = tpu.sem_alloc : memref<!tpu.dma_semaphore, #tpu.memory_space<semaphore_mem>>
      %dma_start3A = arith.constant 0 : i32
      %dma_start3A_72 = tpu.memref_slice %arg6[%run_scoped3A_10, %dma_start3A] : memref<2x10240xf32, #tpu.memory_space<hbm>> -> memref<1x10240xf32, #tpu.memory_space<hbm>>
      %dma_start3A_73 = tpu.memref_squeeze %dma_start3A_72 : memref<1x10240xf32, #tpu.memory_space<hbm>> -> memref<10240xf32, #tpu.memory_space<hbm>>
      %dma_start3A_74 = arith.constant 0 : i32
      %dma_start3A_75 = tpu.memref_slice %arg6[%run_scoped3A_10, %dma_start3A_74] : memref<2x10240xf32, #tpu.memory_space<hbm>> -> memref<1x10240xf32, #tpu.memory_space<hbm>>
      %dma_start3A_76 = tpu.memref_squeeze %dma_start3A_75 : memref<1x10240xf32, #tpu.memory_space<hbm>> -> memref<10240xf32, #tpu.memory_space<hbm>>
      tpu.enqueue_dma source(%dma_start3A_76 : memref<10240xf32, #tpu.memory_space<hbm>>) target(%arg19 : memref<10240xf32, #tpu.memory_space<vmem>>) target_semaphore(%run_scoped3A_71 : memref<!tpu.dma_semaphore, #tpu.memory_space<semaphore_mem>>)
      %dma_wait3A = arith.constant 0 : i32
      %dma_wait3A_77 = tpu.memref_slice %arg6[%run_scoped3A_10, %dma_wait3A] : memref<2x10240xf32, #tpu.memory_space<hbm>> -> memref<1x10240xf32, #tpu.memory_space<hbm>>
      %dma_wait3A_78 = tpu.memref_squeeze %dma_wait3A_77 : memref<1x10240xf32, #tpu.memory_space<hbm>> -> memref<10240xf32, #tpu.memory_space<hbm>>
      %dma_wait3A_79 = arith.constant 0 : i32
      %dma_wait3A_80 = tpu.memref_slice %arg6[%run_scoped3A_10, %dma_wait3A_79] : memref<2x10240xf32, #tpu.memory_space<hbm>> -> memref<1x10240xf32, #tpu.memory_space<hbm>>
      %dma_wait3A_81 = tpu.memref_squeeze %dma_wait3A_80 : memref<1x10240xf32, #tpu.memory_space<hbm>> -> memref<10240xf32, #tpu.memory_space<hbm>>
      tpu.wait_dma2 semaphore(%run_scoped3A_71 : memref<!tpu.dma_semaphore, #tpu.memory_space<semaphore_mem>>) src(%dma_wait3A_81 : memref<10240xf32, #tpu.memory_space<hbm>>) dst(%arg19 : memref<10240xf32, #tpu.memory_space<vmem>>)
      tpu.yield
    }) : () -> ()
    %swap3A = arith.constant 0 : index
    %swap3A_11 = tpu.vector_load %arg12[%swap3A] {strides = array<i32>} : memref<128xf32, #tpu.memory_space<vmem>>, vector<16xf32>,
    tpu.vector_store %arg12[%swap3A], %broadcast_in_dim3A_2 {strides = array<i32>} : memref<128xf32, #tpu.memory_space<vmem>>, vector<16xf32>,
    %swap3A_12 = arith.constant 16 : index
    %swap3A_13 = tpu.vector_load %arg12[%swap3A_12] {strides = array<i32>} : memref<128xf32, #tpu.memory_space<vmem>>, vector<16xf32>,
    tpu.vector_store %arg12[%swap3A_12], %broadcast_in_dim3A_2 {strides = array<i32>} : memref<128xf32, #tpu.memory_space<vmem>>, vector<16xf32>,
    %swap3A_14 = arith.constant 32 : index
    %swap3A_15 = tpu.vector_load %arg12[%swap3A_14] {strides = array<i32>} : memref<128xf32, #tpu.memory_space<vmem>>, vector<16xf32>,
    tpu.vector_store %arg12[%swap3A_14], %broadcast_in_dim3A_2 {strides = array<i32>} : memref<128xf32, #tpu.memory_space<vmem>>, vector<16xf32>,
    %swap3A_16 = arith.constant 48 : index
    %swap3A_17 = tpu.vector_load %arg12[%swap3A_16] {strides = array<i32>} : memref<128xf32, #tpu.memory_space<vmem>>, vector<16xf32>,
    tpu.vector_store %arg12[%swap3A_16], %broadcast_in_dim3A_2 {strides = array<i32>} : memref<128xf32, #tpu.memory_space<vmem>>, vector<16xf32>,
    %swap3A_18 = arith.constant 64 : index
    %swap3A_19 = tpu.vector_load %arg12[%swap3A_18] {strides = array<i32>} : memref<128xf32, #tpu.memory_space<vmem>>, vector<16xf32>,
    tpu.vector_store %arg12[%swap3A_18], %broadcast_in_dim3A_2 {strides = array<i32>} : memref<128xf32, #tpu.memory_space<vmem>>, vector<16xf32>,
    %swap3A_20 = arith.constant 80 : index
    %swap3A_21 = tpu.vector_load %arg12[%swap3A_20] {strides = array<i32>} : memref<128xf32, #tpu.memory_space<vmem>>, vector<16xf32>,
    tpu.vector_store %arg12[%swap3A_20], %broadcast_in_dim3A_2 {strides = array<i32>} : memref<128xf32, #tpu.memory_space<vmem>>, vector<16xf32>,
    %swap3A_22 = arith.constant 96 : index
    %swap3A_23 = tpu.vector_load %arg12[%swap3A_22] {strides = array<i32>} : memref<128xf32, #tpu.memory_space<vmem>>, vector<16xf32>,
    tpu.vector_store %arg12[%swap3A_22], %broadcast_in_dim3A_2 {strides = array<i32>} : memref<128xf32, #tpu.memory_space<vmem>>, vector<16xf32>,
    %swap3A_24 = arith.constant 112 : index
    %swap3A_25 = tpu.vector_load %arg12[%swap3A_24] {strides = array<i32>} : memref<128xf32, #tpu.memory_space<vmem>>, vector<16xf32>,
    tpu.vector_store %arg12[%swap3A_24], %broadcast_in_dim3A_2 {strides = array<i32>} : memref<128xf32, #tpu.memory_space<vmem>>, vector<16xf32>,
    %scan3A = arith.constant 0 : i32
    %scan3A_26 = arith.constant 40 : i32
    %scan3A_27 = arith.addi %scan3A, %scan3A_26 : i32
    %scan3A_28 = arith.constant 1 : i32
    scf.for %scan3A_71 = %scan3A to %scan3A_27 step %scan3A_28  : i32 {
      %mul3A_72 = arith.constant 1 : i32
      %mul3A_73 = arith.muli %scan3A_71, %mul3A_72 : i32
      %add3A_74 = arith.constant 0 : i32
      %add3A_75 = arith.addi %add3A_74, %mul3A_73 : i32
      %mul3A_76 = arith.constant 16 : i32
      %mul3A_77 = arith.muli %mul3A_76, %add3A_75 : i32
      %swap3A_78 = arith.index_cast %mul3A_77 : i32 to index
      %swap3A_79 = tpu.vector_load %arg13[%swap3A_78] {strides = array<i32>} : memref<640xf32, #tpu.memory_space<vmem>>, vector<16xf32>,
      tpu.vector_store %arg13[%swap3A_78], %broadcast_in_dim3A_0 {strides = array<i32>} : memref<640xf32, #tpu.memory_space<vmem>>, vector<16xf32>,
    }
    %scan3A_29 = arith.constant 40 : i32
    %mul3A = arith.constant 640 : i32
    %mul3A_30 = arith.muli %arg1, %mul3A : i32
    "tpu.region"() ({
      %run_scoped3A_71 = tpu.sem_alloc : memref<!tpu.dma_semaphore, #tpu.memory_space<semaphore_mem>>
      %dma_start3A = tpu.memref_slice %arg22[%mul3A_30] : memref<10240xf32, #tpu.memory_space<vmem_shared>> -> memref<640xf32, #tpu.memory_space<vmem_shared>>
      %dma_start3A_72 = tpu.memref_slice %arg22[%mul3A_30] : memref<10240xf32, #tpu.memory_space<vmem_shared>> -> memref<640xf32, #tpu.memory_space<vmem_shared>>
      tpu.enqueue_dma source(%arg13 : memref<640xf32, #tpu.memory_space<vmem>>) target(%dma_start3A_72 : memref<640xf32, #tpu.memory_space<vmem_shared>>) target_semaphore(%run_scoped3A_71 : memref<!tpu.dma_semaphore, #tpu.memory_space<semaphore_mem>>)
      %dma_wait3A = tpu.memref_slice %arg22[%mul3A_30] : memref<10240xf32, #tpu.memory_space<vmem_shared>> -> memref<640xf32, #tpu.memory_space<vmem_shared>>
      %dma_wait3A_73 = tpu.memref_slice %arg22[%mul3A_30] : memref<10240xf32, #tpu.memory_space<vmem_shared>> -> memref<640xf32, #tpu.memory_space<vmem_shared>>
      tpu.wait_dma2 semaphore(%run_scoped3A_71 : memref<!tpu.dma_semaphore, #tpu.memory_space<semaphore_mem>>) src(%arg13 : memref<640xf32, #tpu.memory_space<vmem>>) dst(%dma_wait3A_73 : memref<640xf32, #tpu.memory_space<vmem_shared>>)
      tpu.yield
    }) : () -> ()
    "tpu.region"() ({
      %run_scoped3A_71 = tpu.sem_alloc : memref<!tpu.dma_semaphore, #tpu.memory_space<semaphore_mem>>
      %dma_start3A = tpu.memref_slice %arg23[%mul3A_30] : memref<10240xf32, #tpu.memory_space<vmem_shared>> -> memref<640xf32, #tpu.memory_space<vmem_shared>>
      %dma_start3A_72 = tpu.memref_slice %arg23[%mul3A_30] : memref<10240xf32, #tpu.memory_space<vmem_shared>> -> memref<640xf32, #tpu.memory_space<vmem_shared>>
      tpu.enqueue_dma source(%arg13 : memref<640xf32, #tpu.memory_space<vmem>>) target(%dma_start3A_72 : memref<640xf32, #tpu.memory_space<vmem_shared>>) target_semaphore(%run_scoped3A_71 : memref<!tpu.dma_semaphore, #tpu.memory_space<semaphore_mem>>)
      %dma_wait3A = tpu.memref_slice %arg23[%mul3A_30] : memref<10240xf32, #tpu.memory_space<vmem_shared>> -> memref<640xf32, #tpu.memory_space<vmem_shared>>
      %dma_wait3A_73 = tpu.memref_slice %arg23[%mul3A_30] : memref<10240xf32, #tpu.memory_space<vmem_shared>> -> memref<640xf32, #tpu.memory_space<vmem_shared>>
      tpu.wait_dma2 semaphore(%run_scoped3A_71 : memref<!tpu.dma_semaphore, #tpu.memory_space<semaphore_mem>>) src(%arg13 : memref<640xf32, #tpu.memory_space<vmem>>) dst(%dma_wait3A_73 : memref<640xf32, #tpu.memory_space<vmem_shared>>)
      tpu.yield
    }) : () -> ()
    "tpu.region"() ({
      %run_scoped3A_71 = tpu.sem_alloc : memref<!tpu.dma_semaphore, #tpu.memory_space<semaphore_mem>>
      %dma_start3A = tpu.memref_slice %arg24[%mul3A_30] : memref<10240xf32, #tpu.memory_space<vmem_shared>> -> memref<640xf32, #tpu.memory_space<vmem_shared>>
      %dma_start3A_72 = tpu.memref_slice %arg24[%mul3A_30] : memref<10240xf32, #tpu.memory_space<vmem_shared>> -> memref<640xf32, #tpu.memory_space<vmem_shared>>
      tpu.enqueue_dma source(%arg13 : memref<640xf32, #tpu.memory_space<vmem>>) target(%dma_start3A_72 : memref<640xf32, #tpu.memory_space<vmem_shared>>) target_semaphore(%run_scoped3A_71 : memref<!tpu.dma_semaphore, #tpu.memory_space<semaphore_mem>>)
      %dma_wait3A = tpu.memref_slice %arg24[%mul3A_30] : memref<10240xf32, #tpu.memory_space<vmem_shared>> -> memref<640xf32, #tpu.memory_space<vmem_shared>>
      %dma_wait3A_73 = tpu.memref_slice %arg24[%mul3A_30] : memref<10240xf32, #tpu.memory_space<vmem_shared>> -> memref<640xf32, #tpu.memory_space<vmem_shared>>
      tpu.wait_dma2 semaphore(%run_scoped3A_71 : memref<!tpu.dma_semaphore, #tpu.memory_space<semaphore_mem>>) src(%arg13 : memref<640xf32, #tpu.memory_space<vmem>>) dst(%dma_wait3A_73 : memref<640xf32, #tpu.memory_space<vmem_shared>>)
      tpu.yield
    }) : () -> ()
    %barrier3A = arith.constant 0 : index
    tpu.barrier barrier_id(%barrier3A)
    %scan3A_31 = arith.constant 0 : i32
    %scan3A_32 = arith.constant 157 : i32
    %scan3A_33 = arith.addi %scan3A_31, %scan3A_32 : i32
    %scan3A_34 = arith.constant 1 : i32
    scf.for %scan3A_71 = %scan3A_31 to %scan3A_33 step %scan3A_34  : i32 {
      %mul3A_72 = arith.constant 1 : i32
      %mul3A_73 = arith.muli %scan3A_71, %mul3A_72 : i32
      %add3A_74 = arith.constant 0 : i32
      %add3A_75 = arith.addi %add3A_74, %mul3A_73 : i32
      %mul3A_76 = arith.constant 128 : i32
      %mul3A_77 = arith.muli %add3A_75, %mul3A_76 : i32
      %add3A_78 = arith.constant 0 : i32
      %add3A_79 = arith.addi %mul3A_77, %add3A_78 : i32
      %get3A = arith.index_cast %add3A_79 : i32 to index
      %get3A_80 = tpu.vector_load %arg8[%get3A] {strides = array<i32>} : memref<20096xi32, #tpu.memory_space<vmem>>, vector<16xi32>,
      %gather3A = tpu.vector_load_idx %arg18[%get3A_80] : memref<10240xf32, #tpu.memory_space<vmem>>[vector<16xi32>], vector<16xf32>,
      %swap3A_81 = arith.constant 0 : index
      %swap3A_82 = tpu.vector_load %arg10[%swap3A_81] {strides = array<i32>} : memref<128xf32, #tpu.memory_space<vmem>>, vector<16xf32>,
      tpu.vector_store %arg10[%swap3A_81], %gather3A {strides = array<i32>} : memref<128xf32, #tpu.memory_space<vmem>>, vector<16xf32>,
      %gather3A_83 = tpu.vector_load_idx %arg19[%get3A_80] : memref<10240xf32, #tpu.memory_space<vmem>>[vector<16xi32>], vector<16xf32>,
      %swap3A_84 = arith.constant 0 : index
      %swap3A_85 = tpu.vector_load %arg11[%swap3A_84] {strides = array<i32>} : memref<128xf32, #tpu.memory_space<vmem>>, vector<16xf32>,
      tpu.vector_store %arg11[%swap3A_84], %gather3A_83 {strides = array<i32>} : memref<128xf32, #tpu.memory_space<vmem>>, vector<16xf32>,
      %mul3A_86 = arith.constant 128 : i32
      %mul3A_87 = arith.muli %add3A_75, %mul3A_86 : i32
      %add3A_88 = arith.constant 16 : i32
      %add3A_89 = arith.addi %mul3A_87, %add3A_88 : i32
      %get3A_90 = arith.index_cast %add3A_89 : i32 to index
      %get3A_91 = tpu.vector_load %arg8[%get3A_90] {strides = array<i32>} : memref<20096xi32, #tpu.memory_space<vmem>>, vector<16xi32>,
      %gather3A_92 = tpu.vector_load_idx %arg18[%get3A_91] : memref<10240xf32, #tpu.memory_space<vmem>>[vector<16xi32>], vector<16xf32>,
      %swap3A_93 = arith.constant 16 : index
      %swap3A_94 = tpu.vector_load %arg10[%swap3A_93] {strides = array<i32>} : memref<128xf32, #tpu.memory_space<vmem>>, vector<16xf32>,
      tpu.vector_store %arg10[%swap3A_93], %gather3A_92 {strides = array<i32>} : memref<128xf32, #tpu.memory_space<vmem>>, vector<16xf32>,
      %gather3A_95 = tpu.vector_load_idx %arg19[%get3A_91] : memref<10240xf32, #tpu.memory_space<vmem>>[vector<16xi32>], vector<16xf32>,
      %swap3A_96 = arith.constant 16 : index
      %swap3A_97 = tpu.vector_load %arg11[%swap3A_96] {strides = array<i32>} : memref<128xf32, #tpu.memory_space<vmem>>, vector<16xf32>,
      tpu.vector_store %arg11[%swap3A_96], %gather3A_95 {strides = array<i32>} : memref<128xf32, #tpu.memory_space<vmem>>, vector<16xf32>,
      %mul3A_98 = arith.constant 128 : i32
      %mul3A_99 = arith.muli %add3A_75, %mul3A_98 : i32
      %add3A_100 = arith.constant 32 : i32
      %add3A_101 = arith.addi %mul3A_99, %add3A_100 : i32
      %get3A_102 = arith.index_cast %add3A_101 : i32 to index
      %get3A_103 = tpu.vector_load %arg8[%get3A_102] {strides = array<i32>} : memref<20096xi32, #tpu.memory_space<vmem>>, vector<16xi32>,
      %gather3A_104 = tpu.vector_load_idx %arg18[%get3A_103] : memref<10240xf32, #tpu.memory_space<vmem>>[vector<16xi32>], vector<16xf32>,
      %swap3A_105 = arith.constant 32 : index
      %swap3A_106 = tpu.vector_load %arg10[%swap3A_105] {strides = array<i32>} : memref<128xf32, #tpu.memory_space<vmem>>, vector<16xf32>,
      tpu.vector_store %arg10[%swap3A_105], %gather3A_104 {strides = array<i32>} : memref<128xf32, #tpu.memory_space<vmem>>, vector<16xf32>,
      %gather3A_107 = tpu.vector_load_idx %arg19[%get3A_103] : memref<10240xf32, #tpu.memory_space<vmem>>[vector<16xi32>], vector<16xf32>,
      %swap3A_108 = arith.constant 32 : index
      %swap3A_109 = tpu.vector_load %arg11[%swap3A_108] {strides = array<i32>} : memref<128xf32, #tpu.memory_space<vmem>>, vector<16xf32>,
      tpu.vector_store %arg11[%swap3A_108], %gather3A_107 {strides = array<i32>} : memref<128xf32, #tpu.memory_space<vmem>>, vector<16xf32>,
      %mul3A_110 = arith.constant 128 : i32
      %mul3A_111 = arith.muli %add3A_75, %mul3A_110 : i32
      %add3A_112 = arith.constant 48 : i32
      %add3A_113 = arith.addi %mul3A_111, %add3A_112 : i32
      %get3A_114 = arith.index_cast %add3A_113 : i32 to index
      %get3A_115 = tpu.vector_load %arg8[%get3A_114] {strides = array<i32>} : memref<20096xi32, #tpu.memory_space<vmem>>, vector<16xi32>,
      %gather3A_116 = tpu.vector_load_idx %arg18[%get3A_115] : memref<10240xf32, #tpu.memory_space<vmem>>[vector<16xi32>], vector<16xf32>,
      %swap3A_117 = arith.constant 48 : index
      %swap3A_118 = tpu.vector_load %arg10[%swap3A_117] {strides = array<i32>} : memref<128xf32, #tpu.memory_space<vmem>>, vector<16xf32>,
      tpu.vector_store %arg10[%swap3A_117], %gather3A_116 {strides = array<i32>} : memref<128xf32, #tpu.memory_space<vmem>>, vector<16xf32>,
      %gather3A_119 = tpu.vector_load_idx %arg19[%get3A_115] : memref<10240xf32, #tpu.memory_space<vmem>>[vector<16xi32>], vector<16xf32>,
      %swap3A_120 = arith.constant 48 : index
      %swap3A_121 = tpu.vector_load %arg11[%swap3A_120] {strides = array<i32>} : memref<128xf32, #tpu.memory_space<vmem>>, vector<16xf32>,
      tpu.vector_store %arg11[%swap3A_120], %gather3A_119 {strides = array<i32>} : memref<128xf32, #tpu.memory_space<vmem>>, vector<16xf32>,
      %mul3A_122 = arith.constant 128 : i32
      %mul3A_123 = arith.muli %add3A_75, %mul3A_122 : i32
      %add3A_124 = arith.constant 64 : i32
      %add3A_125 = arith.addi %mul3A_123, %add3A_124 : i32
      %get3A_126 = arith.index_cast %add3A_125 : i32 to index
      %get3A_127 = tpu.vector_load %arg8[%get3A_126] {strides = array<i32>} : memref<20096xi32, #tpu.memory_space<vmem>>, vector<16xi32>,
      %gather3A_128 = tpu.vector_load_idx %arg18[%get3A_127] : memref<10240xf32, #tpu.memory_space<vmem>>[vector<16xi32>], vector<16xf32>,
      %swap3A_129 = arith.constant 64 : index
      %swap3A_130 = tpu.vector_load %arg10[%swap3A_129] {strides = array<i32>} : memref<128xf32, #tpu.memory_space<vmem>>, vector<16xf32>,
      tpu.vector_store %arg10[%swap3A_129], %gather3A_128 {strides = array<i32>} : memref<128xf32, #tpu.memory_space<vmem>>, vector<16xf32>,
      %gather3A_131 = tpu.vector_load_idx %arg19[%get3A_127] : memref<10240xf32, #tpu.memory_space<vmem>>[vector<16xi32>], vector<16xf32>,
      %swap3A_132 = arith.constant 64 : index
      %swap3A_133 = tpu.vector_load %arg11[%swap3A_132] {strides = array<i32>} : memref<128xf32, #tpu.memory_space<vmem>>, vector<16xf32>,
      tpu.vector_store %arg11[%swap3A_132], %gather3A_131 {strides = array<i32>} : memref<128xf32, #tpu.memory_space<vmem>>, vector<16xf32>,
      %mul3A_134 = arith.constant 128 : i32
      %mul3A_135 = arith.muli %add3A_75, %mul3A_134 : i32
      %add3A_136 = arith.constant 80 : i32
      %add3A_137 = arith.addi %mul3A_135, %add3A_136 : i32
      %get3A_138 = arith.index_cast %add3A_137 : i32 to index
      %get3A_139 = tpu.vector_load %arg8[%get3A_138] {strides = array<i32>} : memref<20096xi32, #tpu.memory_space<vmem>>, vector<16xi32>,
      %gather3A_140 = tpu.vector_load_idx %arg18[%get3A_139] : memref<10240xf32, #tpu.memory_space<vmem>>[vector<16xi32>], vector<16xf32>,
      %swap3A_141 = arith.constant 80 : index
      %swap3A_142 = tpu.vector_load %arg10[%swap3A_141] {strides = array<i32>} : memref<128xf32, #tpu.memory_space<vmem>>, vector<16xf32>,
      tpu.vector_store %arg10[%swap3A_141], %gather3A_140 {strides = array<i32>} : memref<128xf32, #tpu.memory_space<vmem>>, vector<16xf32>,
      %gather3A_143 = tpu.vector_load_idx %arg19[%get3A_139] : memref<10240xf32, #tpu.memory_space<vmem>>[vector<16xi32>], vector<16xf32>,
      %swap3A_144 = arith.constant 80 : index
      %swap3A_145 = tpu.vector_load %arg11[%swap3A_144] {strides = array<i32>} : memref<128xf32, #tpu.memory_space<vmem>>, vector<16xf32>,
      tpu.vector_store %arg11[%swap3A_144], %gather3A_143 {strides = array<i32>} : memref<128xf32, #tpu.memory_space<vmem>>, vector<16xf32>,
      %mul3A_146 = arith.constant 128 : i32
      %mul3A_147 = arith.muli %add3A_75, %mul3A_146 : i32
      %add3A_148 = arith.constant 96 : i32
      %add3A_149 = arith.addi %mul3A_147, %add3A_148 : i32
      %get3A_150 = arith.index_cast %add3A_149 : i32 to index
      %get3A_151 = tpu.vector_load %arg8[%get3A_150] {strides = array<i32>} : memref<20096xi32, #tpu.memory_space<vmem>>, vector<16xi32>,
      %gather3A_152 = tpu.vector_load_idx %arg18[%get3A_151] : memref<10240xf32, #tpu.memory_space<vmem>>[vector<16xi32>], vector<16xf32>,
      %swap3A_153 = arith.constant 96 : index
      %swap3A_154 = tpu.vector_load %arg10[%swap3A_153] {strides = array<i32>} : memref<128xf32, #tpu.memory_space<vmem>>, vector<16xf32>,
      tpu.vector_store %arg10[%swap3A_153], %gather3A_152 {strides = array<i32>} : memref<128xf32, #tpu.memory_space<vmem>>, vector<16xf32>,
      %gather3A_155 = tpu.vector_load_idx %arg19[%get3A_151] : memref<10240xf32, #tpu.memory_space<vmem>>[vector<16xi32>], vector<16xf32>,
      %swap3A_156 = arith.constant 96 : index
      %swap3A_157 = tpu.vector_load %arg11[%swap3A_156] {strides = array<i32>} : memref<128xf32, #tpu.memory_space<vmem>>, vector<16xf32>,
      tpu.vector_store %arg11[%swap3A_156], %gather3A_155 {strides = array<i32>} : memref<128xf32, #tpu.memory_space<vmem>>, vector<16xf32>,
      %mul3A_158 = arith.constant 128 : i32
      %mul3A_159 = arith.muli %add3A_75, %mul3A_158 : i32
      %add3A_160 = arith.constant 112 : i32
      %add3A_161 = arith.addi %mul3A_159, %add3A_160 : i32
      %get3A_162 = arith.index_cast %add3A_161 : i32 to index
      %get3A_163 = tpu.vector_load %arg8[%get3A_162] {strides = array<i32>} : memref<20096xi32, #tpu.memory_space<vmem>>, vector<16xi32>,
      %gather3A_164 = tpu.vector_load_idx %arg18[%get3A_163] : memref<10240xf32, #tpu.memory_space<vmem>>[vector<16xi32>], vector<16xf32>,
      %swap3A_165 = arith.constant 112 : index
      %swap3A_166 = tpu.vector_load %arg10[%swap3A_165] {strides = array<i32>} : memref<128xf32, #tpu.memory_space<vmem>>, vector<16xf32>,
      tpu.vector_store %arg10[%swap3A_165], %gather3A_164 {strides = array<i32>} : memref<128xf32, #tpu.memory_space<vmem>>, vector<16xf32>,
      %gather3A_167 = tpu.vector_load_idx %arg19[%get3A_163] : memref<10240xf32, #tpu.memory_space<vmem>>[vector<16xi32>], vector<16xf32>,
      %swap3A_168 = arith.constant 112 : index
      %swap3A_169 = tpu.vector_load %arg11[%swap3A_168] {strides = array<i32>} : memref<128xf32, #tpu.memory_space<vmem>>, vector<16xf32>,
      tpu.vector_store %arg11[%swap3A_168], %gather3A_167 {strides = array<i32>} : memref<128xf32, #tpu.memory_space<vmem>>, vector<16xf32>,
      "tpu.region"() ({
        %run_scoped3A_170 = tpu.sem_alloc : memref<!tpu.dma_semaphore, #tpu.memory_space<semaphore_mem>>
        %dma_start3A = arith.constant 0 : i32
        %dma_start3A_171 = tpu.memref_slice %arg9[%add3A_75, %dma_start3A] : memref<157x128xi32, #tpu.memory_space<vmem>> -> memref<1x128xi32, #tpu.memory_space<vmem>>
        %dma_start3A_172 = tpu.memref_squeeze %dma_start3A_171 : memref<1x128xi32, #tpu.memory_space<vmem>> -> memref<128xi32, #tpu.memory_space<vmem>>
        %dma_start3A_173 = arith.constant 0 : i32
        %dma_start3A_174 = tpu.memref_slice %arg22[%dma_start3A_173] : memref<10240xf32, #tpu.memory_space<vmem_shared>> -> memref<10240xf32, #tpu.memory_space<vmem_shared>>
        tpu.enqueue_indirect_dma source(%arg10 : memref<128xf32, #tpu.memory_space<vmem>>) target(%dma_start3A_174 : memref<10240xf32, #tpu.memory_space<vmem_shared>>) offsets(%dma_start3A_172 : memref<128xi32, #tpu.memory_space<vmem>>) semaphore(%run_scoped3A_170 : memref<!tpu.dma_semaphore, #tpu.memory_space<semaphore_mem>>) {add = true}
        %dma_wait3A = arith.constant 0 : i32
        %dma_wait3A_175 = tpu.memref_slice %arg9[%add3A_75, %dma_wait3A] : memref<157x128xi32, #tpu.memory_space<vmem>> -> memref<1x128xi32, #tpu.memory_space<vmem>>
        %dma_wait3A_176 = tpu.memref_squeeze %dma_wait3A_175 : memref<1x128xi32, #tpu.memory_space<vmem>> -> memref<128xi32, #tpu.memory_space<vmem>>
        %dma_wait3A_177 = arith.constant 0 : i32
        %dma_wait3A_178 = tpu.memref_slice %arg22[%dma_wait3A_177] : memref<10240xf32, #tpu.memory_space<vmem_shared>> -> memref<10240xf32, #tpu.memory_space<vmem_shared>>
        tpu.wait_indirect_dma semaphore(%run_scoped3A_170 : memref<!tpu.dma_semaphore, #tpu.memory_space<semaphore_mem>>) src(%arg10 : memref<128xf32, #tpu.memory_space<vmem>>) dst(%dma_wait3A_178 : memref<10240xf32, #tpu.memory_space<vmem_shared>>)
        tpu.yield
      }) : () -> ()
      "tpu.region"() ({
        %run_scoped3A_170 = tpu.sem_alloc : memref<!tpu.dma_semaphore, #tpu.memory_space<semaphore_mem>>
        %dma_start3A = arith.constant 0 : i32
        %dma_start3A_171 = tpu.memref_slice %arg9[%add3A_75, %dma_start3A] : memref<157x128xi32, #tpu.memory_space<vmem>> -> memref<1x128xi32, #tpu.memory_space<vmem>>
        %dma_start3A_172 = tpu.memref_squeeze %dma_start3A_171 : memref<1x128xi32, #tpu.memory_space<vmem>> -> memref<128xi32, #tpu.memory_space<vmem>>
        %dma_start3A_173 = arith.constant 0 : i32
        %dma_start3A_174 = tpu.memref_slice %arg23[%dma_start3A_173] : memref<10240xf32, #tpu.memory_space<vmem_shared>> -> memref<10240xf32, #tpu.memory_space<vmem_shared>>
        tpu.enqueue_indirect_dma source(%arg11 : memref<128xf32, #tpu.memory_space<vmem>>) target(%dma_start3A_174 : memref<10240xf32, #tpu.memory_space<vmem_shared>>) offsets(%dma_start3A_172 : memref<128xi32, #tpu.memory_space<vmem>>) semaphore(%run_scoped3A_170 : memref<!tpu.dma_semaphore, #tpu.memory_space<semaphore_mem>>) {add = true}
        %dma_wait3A = arith.constant 0 : i32
        %dma_wait3A_175 = tpu.memref_slice %arg9[%add3A_75, %dma_wait3A] : memref<157x128xi32, #tpu.memory_space<vmem>> -> memref<1x128xi32, #tpu.memory_space<vmem>>
        %dma_wait3A_176 = tpu.memref_squeeze %dma_wait3A_175 : memref<1x128xi32, #tpu.memory_space<vmem>> -> memref<128xi32, #tpu.memory_space<vmem>>
        %dma_wait3A_177 = arith.constant 0 : i32
        %dma_wait3A_178 = tpu.memref_slice %arg23[%dma_wait3A_177] : memref<10240xf32, #tpu.memory_space<vmem_shared>> -> memref<10240xf32, #tpu.memory_space<vmem_shared>>
        tpu.wait_indirect_dma semaphore(%run_scoped3A_170 : memref<!tpu.dma_semaphore, #tpu.memory_space<semaphore_mem>>) src(%arg11 : memref<128xf32, #tpu.memory_space<vmem>>) dst(%dma_wait3A_178 : memref<10240xf32, #tpu.memory_space<vmem_shared>>)
        tpu.yield
      }) : () -> ()
      "tpu.region"() ({
        %run_scoped3A_170 = tpu.sem_alloc : memref<!tpu.dma_semaphore, #tpu.memory_space<semaphore_mem>>
        %dma_start3A = arith.constant 0 : i32
        %dma_start3A_171 = tpu.memref_slice %arg9[%add3A_75, %dma_start3A] : memref<157x128xi32, #tpu.memory_space<vmem>> -> memref<1x128xi32, #tpu.memory_space<vmem>>
        %dma_start3A_172 = tpu.memref_squeeze %dma_start3A_171 : memref<1x128xi32, #tpu.memory_space<vmem>> -> memref<128xi32, #tpu.memory_space<vmem>>
        %dma_start3A_173 = arith.constant 0 : i32
        %dma_start3A_174 = tpu.memref_slice %arg24[%dma_start3A_173] : memref<10240xf32, #tpu.memory_space<vmem_shared>> -> memref<10240xf32, #tpu.memory_space<vmem_shared>>
        tpu.enqueue_indirect_dma source(%arg12 : memref<128xf32, #tpu.memory_space<vmem>>) target(%dma_start3A_174 : memref<10240xf32, #tpu.memory_space<vmem_shared>>) offsets(%dma_start3A_172 : memref<128xi32, #tpu.memory_space<vmem>>) semaphore(%run_scoped3A_170 : memref<!tpu.dma_semaphore, #tpu.memory_space<semaphore_mem>>) {add = true}
        %dma_wait3A = arith.constant 0 : i32
        %dma_wait3A_175 = tpu.memref_slice %arg9[%add3A_75, %dma_wait3A] : memref<157x128xi32, #tpu.memory_space<vmem>> -> memref<1x128xi32, #tpu.memory_space<vmem>>
        %dma_wait3A_176 = tpu.memref_squeeze %dma_wait3A_175 : memref<1x128xi32, #tpu.memory_space<vmem>> -> memref<128xi32, #tpu.memory_space<vmem>>
        %dma_wait3A_177 = arith.constant 0 : i32
        %dma_wait3A_178 = tpu.memref_slice %arg24[%dma_wait3A_177] : memref<10240xf32, #tpu.memory_space<vmem_shared>> -> memref<10240xf32, #tpu.memory_space<vmem_shared>>
        tpu.wait_indirect_dma semaphore(%run_scoped3A_170 : memref<!tpu.dma_semaphore, #tpu.memory_space<semaphore_mem>>) src(%arg12 : memref<128xf32, #tpu.memory_space<vmem>>) dst(%dma_wait3A_178 : memref<10240xf32, #tpu.memory_space<vmem_shared>>)
        tpu.yield
      }) : () -> ()
    }
    %scan3A_35 = arith.constant 157 : i32
    %barrier3A_36 = arith.constant 0 : index
    tpu.barrier barrier_id(%barrier3A_36)
    "tpu.region"() ({
      %run_scoped3A_71 = tpu.sem_alloc : memref<!tpu.dma_semaphore, #tpu.memory_space<semaphore_mem>>
      %dma_start3A = tpu.memref_slice %arg22[%mul3A_30] : memref<10240xf32, #tpu.memory_space<vmem_shared>> -> memref<640xf32, #tpu.memory_space<vmem_shared>>
      %dma_start3A_72 = tpu.memref_slice %arg22[%mul3A_30] : memref<10240xf32, #tpu.memory_space<vmem_shared>> -> memref<640xf32, #tpu.memory_space<vmem_shared>>
      tpu.enqueue_dma source(%dma_start3A_72 : memref<640xf32, #tpu.memory_space<vmem_shared>>) target(%arg14 : memref<640xf32, #tpu.memory_space<vmem>>) target_semaphore(%run_scoped3A_71 : memref<!tpu.dma_semaphore, #tpu.memory_space<semaphore_mem>>)
      %dma_wait3A = tpu.memref_slice %arg22[%mul3A_30] : memref<10240xf32, #tpu.memory_space<vmem_shared>> -> memref<640xf32, #tpu.memory_space<vmem_shared>>
      %dma_wait3A_73 = tpu.memref_slice %arg22[%mul3A_30] : memref<10240xf32, #tpu.memory_space<vmem_shared>> -> memref<640xf32, #tpu.memory_space<vmem_shared>>
      tpu.wait_dma2 semaphore(%run_scoped3A_71 : memref<!tpu.dma_semaphore, #tpu.memory_space<semaphore_mem>>) src(%dma_wait3A_73 : memref<640xf32, #tpu.memory_space<vmem_shared>>) dst(%arg14 : memref<640xf32, #tpu.memory_space<vmem>>)
      tpu.yield
    }) : () -> ()
    "tpu.region"() ({
      %run_scoped3A_71 = tpu.sem_alloc : memref<!tpu.dma_semaphore, #tpu.memory_space<semaphore_mem>>
      %dma_start3A = tpu.memref_slice %arg23[%mul3A_30] : memref<10240xf32, #tpu.memory_space<vmem_shared>> -> memref<640xf32, #tpu.memory_space<vmem_shared>>
      %dma_start3A_72 = tpu.memref_slice %arg23[%mul3A_30] : memref<10240xf32, #tpu.memory_space<vmem_shared>> -> memref<640xf32, #tpu.memory_space<vmem_shared>>
      tpu.enqueue_dma source(%dma_start3A_72 : memref<640xf32, #tpu.memory_space<vmem_shared>>) target(%arg15 : memref<640xf32, #tpu.memory_space<vmem>>) target_semaphore(%run_scoped3A_71 : memref<!tpu.dma_semaphore, #tpu.memory_space<semaphore_mem>>)
      %dma_wait3A = tpu.memref_slice %arg23[%mul3A_30] : memref<10240xf32, #tpu.memory_space<vmem_shared>> -> memref<640xf32, #tpu.memory_space<vmem_shared>>
      %dma_wait3A_73 = tpu.memref_slice %arg23[%mul3A_30] : memref<10240xf32, #tpu.memory_space<vmem_shared>> -> memref<640xf32, #tpu.memory_space<vmem_shared>>
      tpu.wait_dma2 semaphore(%run_scoped3A_71 : memref<!tpu.dma_semaphore, #tpu.memory_space<semaphore_mem>>) src(%dma_wait3A_73 : memref<640xf32, #tpu.memory_space<vmem_shared>>) dst(%arg15 : memref<640xf32, #tpu.memory_space<vmem>>)
      tpu.yield
    }) : () -> ()
    "tpu.region"() ({
      %run_scoped3A_71 = tpu.sem_alloc : memref<!tpu.dma_semaphore, #tpu.memory_space<semaphore_mem>>
      %dma_start3A = tpu.memref_slice %arg22[%mul3A_30] : memref<10240xf32, #tpu.memory_space<vmem_shared>> -> memref<640xf32, #tpu.memory_space<vmem_shared>>
      %dma_start3A_72 = tpu.memref_slice %arg22[%mul3A_30] : memref<10240xf32, #tpu.memory_space<vmem_shared>> -> memref<640xf32, #tpu.memory_space<vmem_shared>>
      tpu.enqueue_dma source(%arg13 : memref<640xf32, #tpu.memory_space<vmem>>) target(%dma_start3A_72 : memref<640xf32, #tpu.memory_space<vmem_shared>>) target_semaphore(%run_scoped3A_71 : memref<!tpu.dma_semaphore, #tpu.memory_space<semaphore_mem>>)
      %dma_wait3A = tpu.memref_slice %arg22[%mul3A_30] : memref<10240xf32, #tpu.memory_space<vmem_shared>> -> memref<640xf32, #tpu.memory_space<vmem_shared>>
      %dma_wait3A_73 = tpu.memref_slice %arg22[%mul3A_30] : memref<10240xf32, #tpu.memory_space<vmem_shared>> -> memref<640xf32, #tpu.memory_space<vmem_shared>>
      tpu.wait_dma2 semaphore(%run_scoped3A_71 : memref<!tpu.dma_semaphore, #tpu.memory_space<semaphore_mem>>) src(%arg13 : memref<640xf32, #tpu.memory_space<vmem>>) dst(%dma_wait3A_73 : memref<640xf32, #tpu.memory_space<vmem_shared>>)
      tpu.yield
    }) : () -> ()
    "tpu.region"() ({
      %run_scoped3A_71 = tpu.sem_alloc : memref<!tpu.dma_semaphore, #tpu.memory_space<semaphore_mem>>
      %dma_start3A = tpu.memref_slice %arg23[%mul3A_30] : memref<10240xf32, #tpu.memory_space<vmem_shared>> -> memref<640xf32, #tpu.memory_space<vmem_shared>>
      %dma_start3A_72 = tpu.memref_slice %arg23[%mul3A_30] : memref<10240xf32, #tpu.memory_space<vmem_shared>> -> memref<640xf32, #tpu.memory_space<vmem_shared>>
      tpu.enqueue_dma source(%arg13 : memref<640xf32, #tpu.memory_space<vmem>>) target(%dma_start3A_72 : memref<640xf32, #tpu.memory_space<vmem_shared>>) target_semaphore(%run_scoped3A_71 : memref<!tpu.dma_semaphore, #tpu.memory_space<semaphore_mem>>)
      %dma_wait3A = tpu.memref_slice %arg23[%mul3A_30] : memref<10240xf32, #tpu.memory_space<vmem_shared>> -> memref<640xf32, #tpu.memory_space<vmem_shared>>
      %dma_wait3A_73 = tpu.memref_slice %arg23[%mul3A_30] : memref<10240xf32, #tpu.memory_space<vmem_shared>> -> memref<640xf32, #tpu.memory_space<vmem_shared>>
      tpu.wait_dma2 semaphore(%run_scoped3A_71 : memref<!tpu.dma_semaphore, #tpu.memory_space<semaphore_mem>>) src(%arg13 : memref<640xf32, #tpu.memory_space<vmem>>) dst(%dma_wait3A_73 : memref<640xf32, #tpu.memory_space<vmem_shared>>)
      tpu.yield
    }) : () -> ()
    "tpu.region"() ({
      %run_scoped3A_71 = tpu.sem_alloc : memref<!tpu.dma_semaphore, #tpu.memory_space<semaphore_mem>>
      %dma_start3A = tpu.memref_slice %arg24[%mul3A_30] : memref<10240xf32, #tpu.memory_space<vmem_shared>> -> memref<640xf32, #tpu.memory_space<vmem_shared>>
      %dma_start3A_72 = tpu.memref_slice %arg24[%mul3A_30] : memref<10240xf32, #tpu.memory_space<vmem_shared>> -> memref<640xf32, #tpu.memory_space<vmem_shared>>
      tpu.enqueue_dma source(%dma_start3A_72 : memref<640xf32, #tpu.memory_space<vmem_shared>>) target(%arg16 : memref<640xf32, #tpu.memory_space<vmem>>) target_semaphore(%run_scoped3A_71 : memref<!tpu.dma_semaphore, #tpu.memory_space<semaphore_mem>>)
      %dma_wait3A = tpu.memref_slice %arg24[%mul3A_30] : memref<10240xf32, #tpu.memory_space<vmem_shared>> -> memref<640xf32, #tpu.memory_space<vmem_shared>>
      %dma_wait3A_73 = tpu.memref_slice %arg24[%mul3A_30] : memref<10240xf32, #tpu.memory_space<vmem_shared>> -> memref<640xf32, #tpu.memory_space<vmem_shared>>
      tpu.wait_dma2 semaphore(%run_scoped3A_71 : memref<!tpu.dma_semaphore, #tpu.memory_space<semaphore_mem>>) src(%dma_wait3A_73 : memref<640xf32, #tpu.memory_space<vmem_shared>>) dst(%arg16 : memref<640xf32, #tpu.memory_space<vmem>>)
      tpu.yield
    }) : () -> ()
    %scan3A_37 = arith.constant 0 : i32
    %scan3A_38 = arith.constant 40 : i32
    %scan3A_39 = arith.addi %scan3A_37, %scan3A_38 : i32
    %scan3A_40 = arith.constant 1 : i32
    scf.for %scan3A_71 = %scan3A_37 to %scan3A_39 step %scan3A_40  : i32 {
      %mul3A_72 = arith.constant 1 : i32
      %mul3A_73 = arith.muli %scan3A_71, %mul3A_72 : i32
      %add3A_74 = arith.constant 0 : i32
      %add3A_75 = arith.addi %add3A_74, %mul3A_73 : i32
      %mul3A_76 = arith.constant 16 : i32
      %mul3A_77 = arith.muli %mul3A_76, %add3A_75 : i32
      %get3A = arith.index_cast %mul3A_77 : i32 to index
      %get3A_78 = tpu.vector_load %arg16[%get3A] {strides = array<i32>} : memref<640xf32, #tpu.memory_space<vmem>>, vector<16xf32>,
      %max3A = arith.constant 1.000000e+00 : f32
      %max3A_79 = vector.broadcast %max3A : f32 to vector<16xf32>
      %max3A_80 = arith.maximumf %get3A_78, %max3A_79 : vector<16xf32>
      %mul3A_81 = arith.constant 16 : i32
      %mul3A_82 = arith.muli %mul3A_81, %add3A_75 : i32
      %swap3A_83 = arith.index_cast %mul3A_82 : i32 to index
      %swap3A_84 = tpu.vector_load %arg17[%swap3A_83] {strides = array<i32>} : memref<640xf32, #tpu.memory_space<vmem>>, vector<16xf32>,
      tpu.vector_store %arg17[%swap3A_83], %max3A_80 {strides = array<i32>} : memref<640xf32, #tpu.memory_space<vmem>>, vector<16xf32>,
    }
    %scan3A_41 = arith.constant 40 : i32
    %scan3A_42 = arith.constant 0 : i32
    %scan3A_43 = arith.constant 40 : i32
    %scan3A_44 = arith.addi %scan3A_42, %scan3A_43 : i32
    %scan3A_45 = arith.constant 1 : i32
    scf.for %scan3A_71 = %scan3A_42 to %scan3A_44 step %scan3A_45  : i32 {
      %mul3A_72 = arith.constant 1 : i32
      %mul3A_73 = arith.muli %scan3A_71, %mul3A_72 : i32
      %add3A_74 = arith.constant 0 : i32
      %add3A_75 = arith.addi %add3A_74, %mul3A_73 : i32
      %mul3A_76 = arith.constant 16 : i32
      %mul3A_77 = arith.muli %mul3A_76, %add3A_75 : i32
      %get3A = arith.index_cast %mul3A_77 : i32 to index
      %get3A_78 = tpu.vector_load %arg14[%get3A] {strides = array<i32>} : memref<640xf32, #tpu.memory_space<vmem>>, vector<16xf32>,
      %get3A_79 = arith.index_cast %mul3A_77 : i32 to index
      %get3A_80 = tpu.vector_load %arg17[%get3A_79] {strides = array<i32>} : memref<640xf32, #tpu.memory_space<vmem>>, vector<16xf32>,
      %div3A = arith.divf %get3A_78, %get3A_80 : vector<16xf32>
      %swap3A_81 = arith.index_cast %mul3A_77 : i32 to index
      %swap3A_82 = tpu.vector_load %arg20[%swap3A_81] {strides = array<i32>} : memref<640xf32, #tpu.memory_space<vmem>>, vector<16xf32>,
      tpu.vector_store %arg20[%swap3A_81], %div3A {strides = array<i32>} : memref<640xf32, #tpu.memory_space<vmem>>, vector<16xf32>,
      %get3A_83 = arith.index_cast %mul3A_77 : i32 to index
      %get3A_84 = tpu.vector_load %arg15[%get3A_83] {strides = array<i32>} : memref<640xf32, #tpu.memory_space<vmem>>, vector<16xf32>,
      %get3A_85 = arith.index_cast %mul3A_77 : i32 to index
      %get3A_86 = tpu.vector_load %arg17[%get3A_85] {strides = array<i32>} : memref<640xf32, #tpu.memory_space<vmem>>, vector<16xf32>,
      %div3A_87 = arith.divf %get3A_84, %get3A_86 : vector<16xf32>
      %swap3A_88 = arith.index_cast %mul3A_77 : i32 to index
      %swap3A_89 = tpu.vector_load %arg21[%swap3A_88] {strides = array<i32>} : memref<640xf32, #tpu.memory_space<vmem>>, vector<16xf32>,
      tpu.vector_store %arg21[%swap3A_88], %div3A_87 {strides = array<i32>} : memref<640xf32, #tpu.memory_space<vmem>>, vector<16xf32>,
    }
    %scan3A_46 = arith.constant 40 : i32
    "tpu.region"() ({
      %run_scoped3A_71 = tpu.sem_alloc : memref<!tpu.dma_semaphore, #tpu.memory_space<semaphore_mem>>
      %dma_start3A = tpu.memref_slice %arg25[%mul3A_30] : memref<10240xf32, #tpu.memory_space<vmem_shared>> -> memref<640xf32, #tpu.memory_space<vmem_shared>>
      %dma_start3A_72 = tpu.memref_slice %arg25[%mul3A_30] : memref<10240xf32, #tpu.memory_space<vmem_shared>> -> memref<640xf32, #tpu.memory_space<vmem_shared>>
      tpu.enqueue_dma source(%arg20 : memref<640xf32, #tpu.memory_space<vmem>>) target(%dma_start3A_72 : memref<640xf32, #tpu.memory_space<vmem_shared>>) target_semaphore(%run_scoped3A_71 : memref<!tpu.dma_semaphore, #tpu.memory_space<semaphore_mem>>)
      %dma_wait3A = tpu.memref_slice %arg25[%mul3A_30] : memref<10240xf32, #tpu.memory_space<vmem_shared>> -> memref<640xf32, #tpu.memory_space<vmem_shared>>
      %dma_wait3A_73 = tpu.memref_slice %arg25[%mul3A_30] : memref<10240xf32, #tpu.memory_space<vmem_shared>> -> memref<640xf32, #tpu.memory_space<vmem_shared>>
      tpu.wait_dma2 semaphore(%run_scoped3A_71 : memref<!tpu.dma_semaphore, #tpu.memory_space<semaphore_mem>>) src(%arg20 : memref<640xf32, #tpu.memory_space<vmem>>) dst(%dma_wait3A_73 : memref<640xf32, #tpu.memory_space<vmem_shared>>)
      tpu.yield
    }) : () -> ()
    "tpu.region"() ({
      %run_scoped3A_71 = tpu.sem_alloc : memref<!tpu.dma_semaphore, #tpu.memory_space<semaphore_mem>>
      %dma_start3A = tpu.memref_slice %arg26[%mul3A_30] : memref<10240xf32, #tpu.memory_space<vmem_shared>> -> memref<640xf32, #tpu.memory_space<vmem_shared>>
      %dma_start3A_72 = tpu.memref_slice %arg26[%mul3A_30] : memref<10240xf32, #tpu.memory_space<vmem_shared>> -> memref<640xf32, #tpu.memory_space<vmem_shared>>
      tpu.enqueue_dma source(%arg21 : memref<640xf32, #tpu.memory_space<vmem>>) target(%dma_start3A_72 : memref<640xf32, #tpu.memory_space<vmem_shared>>) target_semaphore(%run_scoped3A_71 : memref<!tpu.dma_semaphore, #tpu.memory_space<semaphore_mem>>)
      %dma_wait3A = tpu.memref_slice %arg26[%mul3A_30] : memref<10240xf32, #tpu.memory_space<vmem_shared>> -> memref<640xf32, #tpu.memory_space<vmem_shared>>
      %dma_wait3A_73 = tpu.memref_slice %arg26[%mul3A_30] : memref<10240xf32, #tpu.memory_space<vmem_shared>> -> memref<640xf32, #tpu.memory_space<vmem_shared>>
      tpu.wait_dma2 semaphore(%run_scoped3A_71 : memref<!tpu.dma_semaphore, #tpu.memory_space<semaphore_mem>>) src(%arg21 : memref<640xf32, #tpu.memory_space<vmem>>) dst(%dma_wait3A_73 : memref<640xf32, #tpu.memory_space<vmem_shared>>)
      tpu.yield
    }) : () -> ()
    %mul3A_47 = arith.constant 4 : i32
    %mul3A_48 = arith.muli %arg0, %mul3A_47 : i32
    %add3A = arith.constant 0 : i32
    %add3A_49 = arith.addi %mul3A_48, %add3A : i32
    "tpu.region"() ({
      %run_scoped3A_71 = tpu.sem_alloc : memref<!tpu.dma_semaphore, #tpu.memory_space<semaphore_mem>>
      %dma_start3A = tpu.memref_slice %arg7[%add3A_49, %mul3A_30] : memref<8x10240xf32, #tpu.memory_space<hbm>> -> memref<1x640xf32, #tpu.memory_space<hbm>>
      %dma_start3A_72 = tpu.memref_squeeze %dma_start3A : memref<1x640xf32, #tpu.memory_space<hbm>> -> memref<640xf32, #tpu.memory_space<hbm>>
      %dma_start3A_73 = tpu.memref_slice %arg7[%add3A_49, %mul3A_30] : memref<8x10240xf32, #tpu.memory_space<hbm>> -> memref<1x640xf32, #tpu.memory_space<hbm>>
      %dma_start3A_74 = tpu.memref_squeeze %dma_start3A_73 : memref<1x640xf32, #tpu.memory_space<hbm>> -> memref<640xf32, #tpu.memory_space<hbm>>
      tpu.enqueue_dma source(%arg20 : memref<640xf32, #tpu.memory_space<vmem>>) target(%dma_start3A_74 : memref<640xf32, #tpu.memory_space<hbm>>) target_semaphore(%run_scoped3A_71 : memref<!tpu.dma_semaphore, #tpu.memory_space<semaphore_mem>>)
      %dma_wait3A = tpu.memref_slice %arg7[%add3A_49, %mul3A_30] : memref<8x10240xf32, #tpu.memory_space<hbm>> -> memref<1x640xf32, #tpu.memory_space<hbm>>
      %dma_wait3A_75 = tpu.memref_squeeze %dma_wait3A : memref<1x640xf32, #tpu.memory_space<hbm>> -> memref<640xf32, #tpu.memory_space<hbm>>
      %dma_wait3A_76 = tpu.memref_slice %arg7[%add3A_49, %mul3A_30] : memref<8x10240xf32, #tpu.memory_space<hbm>> -> memref<1x640xf32, #tpu.memory_space<hbm>>
      %dma_wait3A_77 = tpu.memref_squeeze %dma_wait3A_76 : memref<1x640xf32, #tpu.memory_space<hbm>> -> memref<640xf32, #tpu.memory_space<hbm>>
      tpu.wait_dma2 semaphore(%run_scoped3A_71 : memref<!tpu.dma_semaphore, #tpu.memory_space<semaphore_mem>>) src(%arg20 : memref<640xf32, #tpu.memory_space<vmem>>) dst(%dma_wait3A_77 : memref<640xf32, #tpu.memory_space<hbm>>)
      tpu.yield
    }) : () -> ()
    %add3A_50 = arith.constant 1 : i32
    %add3A_51 = arith.addi %add3A_49, %add3A_50 : i32
    "tpu.region"() ({
      %run_scoped3A_71 = tpu.sem_alloc : memref<!tpu.dma_semaphore, #tpu.memory_space<semaphore_mem>>
      %dma_start3A = tpu.memref_slice %arg7[%add3A_51, %mul3A_30] : memref<8x10240xf32, #tpu.memory_space<hbm>> -> memref<1x640xf32, #tpu.memory_space<hbm>>
      %dma_start3A_72 = tpu.memref_squeeze %dma_start3A : memref<1x640xf32, #tpu.memory_space<hbm>> -> memref<640xf32, #tpu.memory_space<hbm>>
      %dma_start3A_73 = tpu.memref_slice %arg7[%add3A_51, %mul3A_30] : memref<8x10240xf32, #tpu.memory_space<hbm>> -> memref<1x640xf32, #tpu.memory_space<hbm>>
      %dma_start3A_74 = tpu.memref_squeeze %dma_start3A_73 : memref<1x640xf32, #tpu.memory_space<hbm>> -> memref<640xf32, #tpu.memory_space<hbm>>
      tpu.enqueue_dma source(%arg21 : memref<640xf32, #tpu.memory_space<vmem>>) target(%dma_start3A_74 : memref<640xf32, #tpu.memory_space<hbm>>) target_semaphore(%run_scoped3A_71 : memref<!tpu.dma_semaphore, #tpu.memory_space<semaphore_mem>>)
      %dma_wait3A = tpu.memref_slice %arg7[%add3A_51, %mul3A_30] : memref<8x10240xf32, #tpu.memory_space<hbm>> -> memref<1x640xf32, #tpu.memory_space<hbm>>
      %dma_wait3A_75 = tpu.memref_squeeze %dma_wait3A : memref<1x640xf32, #tpu.memory_space<hbm>> -> memref<640xf32, #tpu.memory_space<hbm>>
      %dma_wait3A_76 = tpu.memref_slice %arg7[%add3A_51, %mul3A_30] : memref<8x10240xf32, #tpu.memory_space<hbm>> -> memref<1x640xf32, #tpu.memory_space<hbm>>
      %dma_wait3A_77 = tpu.memref_squeeze %dma_wait3A_76 : memref<1x640xf32, #tpu.memory_space<hbm>> -> memref<640xf32, #tpu.memory_space<hbm>>
      tpu.wait_dma2 semaphore(%run_scoped3A_71 : memref<!tpu.dma_semaphore, #tpu.memory_space<semaphore_mem>>) src(%arg21 : memref<640xf32, #tpu.memory_space<vmem>>) dst(%dma_wait3A_77 : memref<640xf32, #tpu.memory_space<hbm>>)
      tpu.yield
    }) : () -> ()
    %barrier3A_52 = arith.constant 0 : index
    tpu.barrier barrier_id(%barrier3A_52)
    "tpu.region"() ({
      %run_scoped3A_71 = tpu.sem_alloc : memref<!tpu.dma_semaphore, #tpu.memory_space<semaphore_mem>>
      tpu.enqueue_dma source(%arg25 : memref<10240xf32, #tpu.memory_space<vmem_shared>>) target(%arg18 : memref<10240xf32, #tpu.memory_space<vmem>>) target_semaphore(%run_scoped3A_71 : memref<!tpu.dma_semaphore, #tpu.memory_space<semaphore_mem>>)
      tpu.wait_dma2 semaphore(%run_scoped3A_71 : memref<!tpu.dma_semaphore, #tpu.memory_space<semaphore_mem>>) src(%arg25 : memref<10240xf32, #tpu.memory_space<vmem_shared>>) dst(%arg18 : memref<10240xf32, #tpu.memory_space<vmem>>)
      tpu.yield
    }) : () -> ()
    "tpu.region"() ({
      %run_scoped3A_71 = tpu.sem_alloc : memref<!tpu.dma_semaphore, #tpu.memory_space<semaphore_mem>>
      tpu.enqueue_dma source(%arg26 : memref<10240xf32, #tpu.memory_space<vmem_shared>>) target(%arg19 : memref<10240xf32, #tpu.memory_space<vmem>>) target_semaphore(%run_scoped3A_71 : memref<!tpu.dma_semaphore, #tpu.memory_space<semaphore_mem>>)
      tpu.wait_dma2 semaphore(%run_scoped3A_71 : memref<!tpu.dma_semaphore, #tpu.memory_space<semaphore_mem>>) src(%arg26 : memref<10240xf32, #tpu.memory_space<vmem_shared>>) dst(%arg19 : memref<10240xf32, #tpu.memory_space<vmem>>)
      tpu.yield
    }) : () -> ()
    %scan3A_53 = arith.constant 0 : i32
    %scan3A_54 = arith.constant 157 : i32
    %scan3A_55 = arith.addi %scan3A_53, %scan3A_54 : i32
    %scan3A_56 = arith.constant 1 : i32
    scf.for %scan3A_71 = %scan3A_53 to %scan3A_55 step %scan3A_56  : i32 {
      %mul3A_72 = arith.constant 1 : i32
      %mul3A_73 = arith.muli %scan3A_71, %mul3A_72 : i32
      %add3A_74 = arith.constant 0 : i32
      %add3A_75 = arith.addi %add3A_74, %mul3A_73 : i32
      %mul3A_76 = arith.constant 128 : i32
      %mul3A_77 = arith.muli %add3A_75, %mul3A_76 : i32
      %add3A_78 = arith.constant 0 : i32
      %add3A_79 = arith.addi %mul3A_77, %add3A_78 : i32
      %get3A = arith.index_cast %add3A_79 : i32 to index
      %get3A_80 = tpu.vector_load %arg8[%get3A] {strides = array<i32>} : memref<20096xi32, #tpu.memory_space<vmem>>, vector<16xi32>,
      %gather3A = tpu.vector_load_idx %arg18[%get3A_80] : memref<10240xf32, #tpu.memory_space<vmem>>[vector<16xi32>], vector<16xf32>,
      %swap3A_81 = arith.constant 0 : index
      %swap3A_82 = tpu.vector_load %arg10[%swap3A_81] {strides = array<i32>} : memref<128xf32, #tpu.memory_space<vmem>>, vector<16xf32>,
      tpu.vector_store %arg10[%swap3A_81], %gather3A {strides = array<i32>} : memref<128xf32, #tpu.memory_space<vmem>>, vector<16xf32>,
      %gather3A_83 = tpu.vector_load_idx %arg19[%get3A_80] : memref<10240xf32, #tpu.memory_space<vmem>>[vector<16xi32>], vector<16xf32>,
      %swap3A_84 = arith.constant 0 : index
      %swap3A_85 = tpu.vector_load %arg11[%swap3A_84] {strides = array<i32>} : memref<128xf32, #tpu.memory_space<vmem>>, vector<16xf32>,
      tpu.vector_store %arg11[%swap3A_84], %gather3A_83 {strides = array<i32>} : memref<128xf32, #tpu.memory_space<vmem>>, vector<16xf32>,
      %mul3A_86 = arith.constant 128 : i32
      %mul3A_87 = arith.muli %add3A_75, %mul3A_86 : i32
      %add3A_88 = arith.constant 16 : i32
      %add3A_89 = arith.addi %mul3A_87, %add3A_88 : i32
      %get3A_90 = arith.index_cast %add3A_89 : i32 to index
      %get3A_91 = tpu.vector_load %arg8[%get3A_90] {strides = array<i32>} : memref<20096xi32, #tpu.memory_space<vmem>>, vector<16xi32>,
      %gather3A_92 = tpu.vector_load_idx %arg18[%get3A_91] : memref<10240xf32, #tpu.memory_space<vmem>>[vector<16xi32>], vector<16xf32>,
      %swap3A_93 = arith.constant 16 : index
      %swap3A_94 = tpu.vector_load %arg10[%swap3A_93] {strides = array<i32>} : memref<128xf32, #tpu.memory_space<vmem>>, vector<16xf32>,
      tpu.vector_store %arg10[%swap3A_93], %gather3A_92 {strides = array<i32>} : memref<128xf32, #tpu.memory_space<vmem>>, vector<16xf32>,
      %gather3A_95 = tpu.vector_load_idx %arg19[%get3A_91] : memref<10240xf32, #tpu.memory_space<vmem>>[vector<16xi32>], vector<16xf32>,
      %swap3A_96 = arith.constant 16 : index
      %swap3A_97 = tpu.vector_load %arg11[%swap3A_96] {strides = array<i32>} : memref<128xf32, #tpu.memory_space<vmem>>, vector<16xf32>,
      tpu.vector_store %arg11[%swap3A_96], %gather3A_95 {strides = array<i32>} : memref<128xf32, #tpu.memory_space<vmem>>, vector<16xf32>,
      %mul3A_98 = arith.constant 128 : i32
      %mul3A_99 = arith.muli %add3A_75, %mul3A_98 : i32
      %add3A_100 = arith.constant 32 : i32
      %add3A_101 = arith.addi %mul3A_99, %add3A_100 : i32
      %get3A_102 = arith.index_cast %add3A_101 : i32 to index
      %get3A_103 = tpu.vector_load %arg8[%get3A_102] {strides = array<i32>} : memref<20096xi32, #tpu.memory_space<vmem>>, vector<16xi32>,
      %gather3A_104 = tpu.vector_load_idx %arg18[%get3A_103] : memref<10240xf32, #tpu.memory_space<vmem>>[vector<16xi32>], vector<16xf32>,
      %swap3A_105 = arith.constant 32 : index
      %swap3A_106 = tpu.vector_load %arg10[%swap3A_105] {strides = array<i32>} : memref<128xf32, #tpu.memory_space<vmem>>, vector<16xf32>,
      tpu.vector_store %arg10[%swap3A_105], %gather3A_104 {strides = array<i32>} : memref<128xf32, #tpu.memory_space<vmem>>, vector<16xf32>,
      %gather3A_107 = tpu.vector_load_idx %arg19[%get3A_103] : memref<10240xf32, #tpu.memory_space<vmem>>[vector<16xi32>], vector<16xf32>,
      %swap3A_108 = arith.constant 32 : index
      %swap3A_109 = tpu.vector_load %arg11[%swap3A_108] {strides = array<i32>} : memref<128xf32, #tpu.memory_space<vmem>>, vector<16xf32>,
      tpu.vector_store %arg11[%swap3A_108], %gather3A_107 {strides = array<i32>} : memref<128xf32, #tpu.memory_space<vmem>>, vector<16xf32>,
      %mul3A_110 = arith.constant 128 : i32
      %mul3A_111 = arith.muli %add3A_75, %mul3A_110 : i32
      %add3A_112 = arith.constant 48 : i32
      %add3A_113 = arith.addi %mul3A_111, %add3A_112 : i32
      %get3A_114 = arith.index_cast %add3A_113 : i32 to index
      %get3A_115 = tpu.vector_load %arg8[%get3A_114] {strides = array<i32>} : memref<20096xi32, #tpu.memory_space<vmem>>, vector<16xi32>,
      %gather3A_116 = tpu.vector_load_idx %arg18[%get3A_115] : memref<10240xf32, #tpu.memory_space<vmem>>[vector<16xi32>], vector<16xf32>,
      %swap3A_117 = arith.constant 48 : index
      %swap3A_118 = tpu.vector_load %arg10[%swap3A_117] {strides = array<i32>} : memref<128xf32, #tpu.memory_space<vmem>>, vector<16xf32>,
      tpu.vector_store %arg10[%swap3A_117], %gather3A_116 {strides = array<i32>} : memref<128xf32, #tpu.memory_space<vmem>>, vector<16xf32>,
      %gather3A_119 = tpu.vector_load_idx %arg19[%get3A_115] : memref<10240xf32, #tpu.memory_space<vmem>>[vector<16xi32>], vector<16xf32>,
      %swap3A_120 = arith.constant 48 : index
      %swap3A_121 = tpu.vector_load %arg11[%swap3A_120] {strides = array<i32>} : memref<128xf32, #tpu.memory_space<vmem>>, vector<16xf32>,
      tpu.vector_store %arg11[%swap3A_120], %gather3A_119 {strides = array<i32>} : memref<128xf32, #tpu.memory_space<vmem>>, vector<16xf32>,
      %mul3A_122 = arith.constant 128 : i32
      %mul3A_123 = arith.muli %add3A_75, %mul3A_122 : i32
      %add3A_124 = arith.constant 64 : i32
      %add3A_125 = arith.addi %mul3A_123, %add3A_124 : i32
      %get3A_126 = arith.index_cast %add3A_125 : i32 to index
      %get3A_127 = tpu.vector_load %arg8[%get3A_126] {strides = array<i32>} : memref<20096xi32, #tpu.memory_space<vmem>>, vector<16xi32>,
      %gather3A_128 = tpu.vector_load_idx %arg18[%get3A_127] : memref<10240xf32, #tpu.memory_space<vmem>>[vector<16xi32>], vector<16xf32>,
      %swap3A_129 = arith.constant 64 : index
      %swap3A_130 = tpu.vector_load %arg10[%swap3A_129] {strides = array<i32>} : memref<128xf32, #tpu.memory_space<vmem>>, vector<16xf32>,
      tpu.vector_store %arg10[%swap3A_129], %gather3A_128 {strides = array<i32>} : memref<128xf32, #tpu.memory_space<vmem>>, vector<16xf32>,
      %gather3A_131 = tpu.vector_load_idx %arg19[%get3A_127] : memref<10240xf32, #tpu.memory_space<vmem>>[vector<16xi32>], vector<16xf32>,
      %swap3A_132 = arith.constant 64 : index
      %swap3A_133 = tpu.vector_load %arg11[%swap3A_132] {strides = array<i32>} : memref<128xf32, #tpu.memory_space<vmem>>, vector<16xf32>,
      tpu.vector_store %arg11[%swap3A_132], %gather3A_131 {strides = array<i32>} : memref<128xf32, #tpu.memory_space<vmem>>, vector<16xf32>,
      %mul3A_134 = arith.constant 128 : i32
      %mul3A_135 = arith.muli %add3A_75, %mul3A_134 : i32
      %add3A_136 = arith.constant 80 : i32
      %add3A_137 = arith.addi %mul3A_135, %add3A_136 : i32
      %get3A_138 = arith.index_cast %add3A_137 : i32 to index
      %get3A_139 = tpu.vector_load %arg8[%get3A_138] {strides = array<i32>} : memref<20096xi32, #tpu.memory_space<vmem>>, vector<16xi32>,
      %gather3A_140 = tpu.vector_load_idx %arg18[%get3A_139] : memref<10240xf32, #tpu.memory_space<vmem>>[vector<16xi32>], vector<16xf32>,
      %swap3A_141 = arith.constant 80 : index
      %swap3A_142 = tpu.vector_load %arg10[%swap3A_141] {strides = array<i32>} : memref<128xf32, #tpu.memory_space<vmem>>, vector<16xf32>,
      tpu.vector_store %arg10[%swap3A_141], %gather3A_140 {strides = array<i32>} : memref<128xf32, #tpu.memory_space<vmem>>, vector<16xf32>,
      %gather3A_143 = tpu.vector_load_idx %arg19[%get3A_139] : memref<10240xf32, #tpu.memory_space<vmem>>[vector<16xi32>], vector<16xf32>,
      %swap3A_144 = arith.constant 80 : index
      %swap3A_145 = tpu.vector_load %arg11[%swap3A_144] {strides = array<i32>} : memref<128xf32, #tpu.memory_space<vmem>>, vector<16xf32>,
      tpu.vector_store %arg11[%swap3A_144], %gather3A_143 {strides = array<i32>} : memref<128xf32, #tpu.memory_space<vmem>>, vector<16xf32>,
      %mul3A_146 = arith.constant 128 : i32
      %mul3A_147 = arith.muli %add3A_75, %mul3A_146 : i32
      %add3A_148 = arith.constant 96 : i32
      %add3A_149 = arith.addi %mul3A_147, %add3A_148 : i32
      %get3A_150 = arith.index_cast %add3A_149 : i32 to index
      %get3A_151 = tpu.vector_load %arg8[%get3A_150] {strides = array<i32>} : memref<20096xi32, #tpu.memory_space<vmem>>, vector<16xi32>,
      %gather3A_152 = tpu.vector_load_idx %arg18[%get3A_151] : memref<10240xf32, #tpu.memory_space<vmem>>[vector<16xi32>], vector<16xf32>,
      %swap3A_153 = arith.constant 96 : index
      %swap3A_154 = tpu.vector_load %arg10[%swap3A_153] {strides = array<i32>} : memref<128xf32, #tpu.memory_space<vmem>>, vector<16xf32>,
      tpu.vector_store %arg10[%swap3A_153], %gather3A_152 {strides = array<i32>} : memref<128xf32, #tpu.memory_space<vmem>>, vector<16xf32>,
      %gather3A_155 = tpu.vector_load_idx %arg19[%get3A_151] : memref<10240xf32, #tpu.memory_space<vmem>>[vector<16xi32>], vector<16xf32>,
      %swap3A_156 = arith.constant 96 : index
      %swap3A_157 = tpu.vector_load %arg11[%swap3A_156] {strides = array<i32>} : memref<128xf32, #tpu.memory_space<vmem>>, vector<16xf32>,
      tpu.vector_store %arg11[%swap3A_156], %gather3A_155 {strides = array<i32>} : memref<128xf32, #tpu.memory_space<vmem>>, vector<16xf32>,
      %mul3A_158 = arith.constant 128 : i32
      %mul3A_159 = arith.muli %add3A_75, %mul3A_158 : i32
      %add3A_160 = arith.constant 112 : i32
      %add3A_161 = arith.addi %mul3A_159, %add3A_160 : i32
      %get3A_162 = arith.index_cast %add3A_161 : i32 to index
      %get3A_163 = tpu.vector_load %arg8[%get3A_162] {strides = array<i32>} : memref<20096xi32, #tpu.memory_space<vmem>>, vector<16xi32>,
      %gather3A_164 = tpu.vector_load_idx %arg18[%get3A_163] : memref<10240xf32, #tpu.memory_space<vmem>>[vector<16xi32>], vector<16xf32>,
      %swap3A_165 = arith.constant 112 : index
      %swap3A_166 = tpu.vector_load %arg10[%swap3A_165] {strides = array<i32>} : memref<128xf32, #tpu.memory_space<vmem>>, vector<16xf32>,
      tpu.vector_store %arg10[%swap3A_165], %gather3A_164 {strides = array<i32>} : memref<128xf32, #tpu.memory_space<vmem>>, vector<16xf32>,
      %gather3A_167 = tpu.vector_load_idx %arg19[%get3A_163] : memref<10240xf32, #tpu.memory_space<vmem>>[vector<16xi32>], vector<16xf32>,
      %swap3A_168 = arith.constant 112 : index
      %swap3A_169 = tpu.vector_load %arg11[%swap3A_168] {strides = array<i32>} : memref<128xf32, #tpu.memory_space<vmem>>, vector<16xf32>,
      tpu.vector_store %arg11[%swap3A_168], %gather3A_167 {strides = array<i32>} : memref<128xf32, #tpu.memory_space<vmem>>, vector<16xf32>,
      "tpu.region"() ({
        %run_scoped3A_170 = tpu.sem_alloc : memref<!tpu.dma_semaphore, #tpu.memory_space<semaphore_mem>>
        %dma_start3A = arith.constant 0 : i32
        %dma_start3A_171 = tpu.memref_slice %arg9[%add3A_75, %dma_start3A] : memref<157x128xi32, #tpu.memory_space<vmem>> -> memref<1x128xi32, #tpu.memory_space<vmem>>
        %dma_start3A_172 = tpu.memref_squeeze %dma_start3A_171 : memref<1x128xi32, #tpu.memory_space<vmem>> -> memref<128xi32, #tpu.memory_space<vmem>>
        %dma_start3A_173 = arith.constant 0 : i32
        %dma_start3A_174 = tpu.memref_slice %arg22[%dma_start3A_173] : memref<10240xf32, #tpu.memory_space<vmem_shared>> -> memref<10240xf32, #tpu.memory_space<vmem_shared>>
        tpu.enqueue_indirect_dma source(%arg10 : memref<128xf32, #tpu.memory_space<vmem>>) target(%dma_start3A_174 : memref<10240xf32, #tpu.memory_space<vmem_shared>>) offsets(%dma_start3A_172 : memref<128xi32, #tpu.memory_space<vmem>>) semaphore(%run_scoped3A_170 : memref<!tpu.dma_semaphore, #tpu.memory_space<semaphore_mem>>) {add = true}
        %dma_wait3A = arith.constant 0 : i32
        %dma_wait3A_175 = tpu.memref_slice %arg9[%add3A_75, %dma_wait3A] : memref<157x128xi32, #tpu.memory_space<vmem>> -> memref<1x128xi32, #tpu.memory_space<vmem>>
        %dma_wait3A_176 = tpu.memref_squeeze %dma_wait3A_175 : memref<1x128xi32, #tpu.memory_space<vmem>> -> memref<128xi32, #tpu.memory_space<vmem>>
        %dma_wait3A_177 = arith.constant 0 : i32
        %dma_wait3A_178 = tpu.memref_slice %arg22[%dma_wait3A_177] : memref<10240xf32, #tpu.memory_space<vmem_shared>> -> memref<10240xf32, #tpu.memory_space<vmem_shared>>
        tpu.wait_indirect_dma semaphore(%run_scoped3A_170 : memref<!tpu.dma_semaphore, #tpu.memory_space<semaphore_mem>>) src(%arg10 : memref<128xf32, #tpu.memory_space<vmem>>) dst(%dma_wait3A_178 : memref<10240xf32, #tpu.memory_space<vmem_shared>>)
        tpu.yield
      }) : () -> ()
      "tpu.region"() ({
        %run_scoped3A_170 = tpu.sem_alloc : memref<!tpu.dma_semaphore, #tpu.memory_space<semaphore_mem>>
        %dma_start3A = arith.constant 0 : i32
        %dma_start3A_171 = tpu.memref_slice %arg9[%add3A_75, %dma_start3A] : memref<157x128xi32, #tpu.memory_space<vmem>> -> memref<1x128xi32, #tpu.memory_space<vmem>>
        %dma_start3A_172 = tpu.memref_squeeze %dma_start3A_171 : memref<1x128xi32, #tpu.memory_space<vmem>> -> memref<128xi32, #tpu.memory_space<vmem>>
        %dma_start3A_173 = arith.constant 0 : i32
        %dma_start3A_174 = tpu.memref_slice %arg23[%dma_start3A_173] : memref<10240xf32, #tpu.memory_space<vmem_shared>> -> memref<10240xf32, #tpu.memory_space<vmem_shared>>
        tpu.enqueue_indirect_dma source(%arg11 : memref<128xf32, #tpu.memory_space<vmem>>) target(%dma_start3A_174 : memref<10240xf32, #tpu.memory_space<vmem_shared>>) offsets(%dma_start3A_172 : memref<128xi32, #tpu.memory_space<vmem>>) semaphore(%run_scoped3A_170 : memref<!tpu.dma_semaphore, #tpu.memory_space<semaphore_mem>>) {add = true}
        %dma_wait3A = arith.constant 0 : i32
        %dma_wait3A_175 = tpu.memref_slice %arg9[%add3A_75, %dma_wait3A] : memref<157x128xi32, #tpu.memory_space<vmem>> -> memref<1x128xi32, #tpu.memory_space<vmem>>
        %dma_wait3A_176 = tpu.memref_squeeze %dma_wait3A_175 : memref<1x128xi32, #tpu.memory_space<vmem>> -> memref<128xi32, #tpu.memory_space<vmem>>
        %dma_wait3A_177 = arith.constant 0 : i32
        %dma_wait3A_178 = tpu.memref_slice %arg23[%dma_wait3A_177] : memref<10240xf32, #tpu.memory_space<vmem_shared>> -> memref<10240xf32, #tpu.memory_space<vmem_shared>>
        tpu.wait_indirect_dma semaphore(%run_scoped3A_170 : memref<!tpu.dma_semaphore, #tpu.memory_space<semaphore_mem>>) src(%arg11 : memref<128xf32, #tpu.memory_space<vmem>>) dst(%dma_wait3A_178 : memref<10240xf32, #tpu.memory_space<vmem_shared>>)
        tpu.yield
      }) : () -> ()
    }
    %scan3A_57 = arith.constant 157 : i32
    %barrier3A_58 = arith.constant 0 : index
    tpu.barrier barrier_id(%barrier3A_58)
    "tpu.region"() ({
      %run_scoped3A_71 = tpu.sem_alloc : memref<!tpu.dma_semaphore, #tpu.memory_space<semaphore_mem>>
      %dma_start3A = tpu.memref_slice %arg22[%mul3A_30] : memref<10240xf32, #tpu.memory_space<vmem_shared>> -> memref<640xf32, #tpu.memory_space<vmem_shared>>
      %dma_start3A_72 = tpu.memref_slice %arg22[%mul3A_30] : memref<10240xf32, #tpu.memory_space<vmem_shared>> -> memref<640xf32, #tpu.memory_space<vmem_shared>>
      tpu.enqueue_dma source(%dma_start3A_72 : memref<640xf32, #tpu.memory_space<vmem_shared>>) target(%arg14 : memref<640xf32, #tpu.memory_space<vmem>>) target_semaphore(%run_scoped3A_71 : memref<!tpu.dma_semaphore, #tpu.memory_space<semaphore_mem>>)
      %dma_wait3A = tpu.memref_slice %arg22[%mul3A_30] : memref<10240xf32, #tpu.memory_space<vmem_shared>> -> memref<640xf32, #tpu.memory_space<vmem_shared>>
      %dma_wait3A_73 = tpu.memref_slice %arg22[%mul3A_30] : memref<10240xf32, #tpu.memory_space<vmem_shared>> -> memref<640xf32, #tpu.memory_space<vmem_shared>>
      tpu.wait_dma2 semaphore(%run_scoped3A_71 : memref<!tpu.dma_semaphore, #tpu.memory_space<semaphore_mem>>) src(%dma_wait3A_73 : memref<640xf32, #tpu.memory_space<vmem_shared>>) dst(%arg14 : memref<640xf32, #tpu.memory_space<vmem>>)
      tpu.yield
    }) : () -> ()
    "tpu.region"() ({
      %run_scoped3A_71 = tpu.sem_alloc : memref<!tpu.dma_semaphore, #tpu.memory_space<semaphore_mem>>
      %dma_start3A = tpu.memref_slice %arg23[%mul3A_30] : memref<10240xf32, #tpu.memory_space<vmem_shared>> -> memref<640xf32, #tpu.memory_space<vmem_shared>>
      %dma_start3A_72 = tpu.memref_slice %arg23[%mul3A_30] : memref<10240xf32, #tpu.memory_space<vmem_shared>> -> memref<640xf32, #tpu.memory_space<vmem_shared>>
      tpu.enqueue_dma source(%dma_start3A_72 : memref<640xf32, #tpu.memory_space<vmem_shared>>) target(%arg15 : memref<640xf32, #tpu.memory_space<vmem>>) target_semaphore(%run_scoped3A_71 : memref<!tpu.dma_semaphore, #tpu.memory_space<semaphore_mem>>)
      %dma_wait3A = tpu.memref_slice %arg23[%mul3A_30] : memref<10240xf32, #tpu.memory_space<vmem_shared>> -> memref<640xf32, #tpu.memory_space<vmem_shared>>
      %dma_wait3A_73 = tpu.memref_slice %arg23[%mul3A_30] : memref<10240xf32, #tpu.memory_space<vmem_shared>> -> memref<640xf32, #tpu.memory_space<vmem_shared>>
      tpu.wait_dma2 semaphore(%run_scoped3A_71 : memref<!tpu.dma_semaphore, #tpu.memory_space<semaphore_mem>>) src(%dma_wait3A_73 : memref<640xf32, #tpu.memory_space<vmem_shared>>) dst(%arg15 : memref<640xf32, #tpu.memory_space<vmem>>)
      tpu.yield
    }) : () -> ()
    "tpu.region"() ({
      %run_scoped3A_71 = tpu.sem_alloc : memref<!tpu.dma_semaphore, #tpu.memory_space<semaphore_mem>>
      %dma_start3A = tpu.memref_slice %arg22[%mul3A_30] : memref<10240xf32, #tpu.memory_space<vmem_shared>> -> memref<640xf32, #tpu.memory_space<vmem_shared>>
      %dma_start3A_72 = tpu.memref_slice %arg22[%mul3A_30] : memref<10240xf32, #tpu.memory_space<vmem_shared>> -> memref<640xf32, #tpu.memory_space<vmem_shared>>
      tpu.enqueue_dma source(%arg13 : memref<640xf32, #tpu.memory_space<vmem>>) target(%dma_start3A_72 : memref<640xf32, #tpu.memory_space<vmem_shared>>) target_semaphore(%run_scoped3A_71 : memref<!tpu.dma_semaphore, #tpu.memory_space<semaphore_mem>>)
      %dma_wait3A = tpu.memref_slice %arg22[%mul3A_30] : memref<10240xf32, #tpu.memory_space<vmem_shared>> -> memref<640xf32, #tpu.memory_space<vmem_shared>>
      %dma_wait3A_73 = tpu.memref_slice %arg22[%mul3A_30] : memref<10240xf32, #tpu.memory_space<vmem_shared>> -> memref<640xf32, #tpu.memory_space<vmem_shared>>
      tpu.wait_dma2 semaphore(%run_scoped3A_71 : memref<!tpu.dma_semaphore, #tpu.memory_space<semaphore_mem>>) src(%arg13 : memref<640xf32, #tpu.memory_space<vmem>>) dst(%dma_wait3A_73 : memref<640xf32, #tpu.memory_space<vmem_shared>>)
      tpu.yield
    }) : () -> ()
    "tpu.region"() ({
      %run_scoped3A_71 = tpu.sem_alloc : memref<!tpu.dma_semaphore, #tpu.memory_space<semaphore_mem>>
      %dma_start3A = tpu.memref_slice %arg23[%mul3A_30] : memref<10240xf32, #tpu.memory_space<vmem_shared>> -> memref<640xf32, #tpu.memory_space<vmem_shared>>
      %dma_start3A_72 = tpu.memref_slice %arg23[%mul3A_30] : memref<10240xf32, #tpu.memory_space<vmem_shared>> -> memref<640xf32, #tpu.memory_space<vmem_shared>>
      tpu.enqueue_dma source(%arg13 : memref<640xf32, #tpu.memory_space<vmem>>) target(%dma_start3A_72 : memref<640xf32, #tpu.memory_space<vmem_shared>>) target_semaphore(%run_scoped3A_71 : memref<!tpu.dma_semaphore, #tpu.memory_space<semaphore_mem>>)
      %dma_wait3A = tpu.memref_slice %arg23[%mul3A_30] : memref<10240xf32, #tpu.memory_space<vmem_shared>> -> memref<640xf32, #tpu.memory_space<vmem_shared>>
      %dma_wait3A_73 = tpu.memref_slice %arg23[%mul3A_30] : memref<10240xf32, #tpu.memory_space<vmem_shared>> -> memref<640xf32, #tpu.memory_space<vmem_shared>>
      tpu.wait_dma2 semaphore(%run_scoped3A_71 : memref<!tpu.dma_semaphore, #tpu.memory_space<semaphore_mem>>) src(%arg13 : memref<640xf32, #tpu.memory_space<vmem>>) dst(%dma_wait3A_73 : memref<640xf32, #tpu.memory_space<vmem_shared>>)
      tpu.yield
    }) : () -> ()
    %scan3A_59 = arith.constant 0 : i32
    %scan3A_60 = arith.constant 40 : i32
    %scan3A_61 = arith.addi %scan3A_59, %scan3A_60 : i32
    %scan3A_62 = arith.constant 1 : i32
    scf.for %scan3A_71 = %scan3A_59 to %scan3A_61 step %scan3A_62  : i32 {
      %mul3A_72 = arith.constant 1 : i32
      %mul3A_73 = arith.muli %scan3A_71, %mul3A_72 : i32
      %add3A_74 = arith.constant 0 : i32
      %add3A_75 = arith.addi %add3A_74, %mul3A_73 : i32
      %mul3A_76 = arith.constant 16 : i32
      %mul3A_77 = arith.muli %mul3A_76, %add3A_75 : i32
      %get3A = arith.index_cast %mul3A_77 : i32 to index
      %get3A_78 = tpu.vector_load %arg14[%get3A] {strides = array<i32>} : memref<640xf32, #tpu.memory_space<vmem>>, vector<16xf32>,
      %get3A_79 = arith.index_cast %mul3A_77 : i32 to index
      %get3A_80 = tpu.vector_load %arg17[%get3A_79] {strides = array<i32>} : memref<640xf32, #tpu.memory_space<vmem>>, vector<16xf32>,
      %div3A = arith.divf %get3A_78, %get3A_80 : vector<16xf32>
      %swap3A_81 = arith.index_cast %mul3A_77 : i32 to index
      %swap3A_82 = tpu.vector_load %arg20[%swap3A_81] {strides = array<i32>} : memref<640xf32, #tpu.memory_space<vmem>>, vector<16xf32>,
      tpu.vector_store %arg20[%swap3A_81], %div3A {strides = array<i32>} : memref<640xf32, #tpu.memory_space<vmem>>, vector<16xf32>,
      %get3A_83 = arith.index_cast %mul3A_77 : i32 to index
      %get3A_84 = tpu.vector_load %arg15[%get3A_83] {strides = array<i32>} : memref<640xf32, #tpu.memory_space<vmem>>, vector<16xf32>,
      %get3A_85 = arith.index_cast %mul3A_77 : i32 to index
      %get3A_86 = tpu.vector_load %arg17[%get3A_85] {strides = array<i32>} : memref<640xf32, #tpu.memory_space<vmem>>, vector<16xf32>,
      %div3A_87 = arith.divf %get3A_84, %get3A_86 : vector<16xf32>
      %swap3A_88 = arith.index_cast %mul3A_77 : i32 to index
      %swap3A_89 = tpu.vector_load %arg21[%swap3A_88] {strides = array<i32>} : memref<640xf32, #tpu.memory_space<vmem>>, vector<16xf32>,
      tpu.vector_store %arg21[%swap3A_88], %div3A_87 {strides = array<i32>} : memref<640xf32, #tpu.memory_space<vmem>>, vector<16xf32>,
    }
    %scan3A_63 = arith.constant 40 : i32
    "tpu.region"() ({
      %run_scoped3A_71 = tpu.sem_alloc : memref<!tpu.dma_semaphore, #tpu.memory_space<semaphore_mem>>
      %dma_start3A = tpu.memref_slice %arg25[%mul3A_30] : memref<10240xf32, #tpu.memory_space<vmem_shared>> -> memref<640xf32, #tpu.memory_space<vmem_shared>>
      %dma_start3A_72 = tpu.memref_slice %arg25[%mul3A_30] : memref<10240xf32, #tpu.memory_space<vmem_shared>> -> memref<640xf32, #tpu.memory_space<vmem_shared>>
      tpu.enqueue_dma source(%arg20 : memref<640xf32, #tpu.memory_space<vmem>>) target(%dma_start3A_72 : memref<640xf32, #tpu.memory_space<vmem_shared>>) target_semaphore(%run_scoped3A_71 : memref<!tpu.dma_semaphore, #tpu.memory_space<semaphore_mem>>)
      %dma_wait3A = tpu.memref_slice %arg25[%mul3A_30] : memref<10240xf32, #tpu.memory_space<vmem_shared>> -> memref<640xf32, #tpu.memory_space<vmem_shared>>
      %dma_wait3A_73 = tpu.memref_slice %arg25[%mul3A_30] : memref<10240xf32, #tpu.memory_space<vmem_shared>> -> memref<640xf32, #tpu.memory_space<vmem_shared>>
      tpu.wait_dma2 semaphore(%run_scoped3A_71 : memref<!tpu.dma_semaphore, #tpu.memory_space<semaphore_mem>>) src(%arg20 : memref<640xf32, #tpu.memory_space<vmem>>) dst(%dma_wait3A_73 : memref<640xf32, #tpu.memory_space<vmem_shared>>)
      tpu.yield
    }) : () -> ()
    "tpu.region"() ({
      %run_scoped3A_71 = tpu.sem_alloc : memref<!tpu.dma_semaphore, #tpu.memory_space<semaphore_mem>>
      %dma_start3A = tpu.memref_slice %arg26[%mul3A_30] : memref<10240xf32, #tpu.memory_space<vmem_shared>> -> memref<640xf32, #tpu.memory_space<vmem_shared>>
      %dma_start3A_72 = tpu.memref_slice %arg26[%mul3A_30] : memref<10240xf32, #tpu.memory_space<vmem_shared>> -> memref<640xf32, #tpu.memory_space<vmem_shared>>
      tpu.enqueue_dma source(%arg21 : memref<640xf32, #tpu.memory_space<vmem>>) target(%dma_start3A_72 : memref<640xf32, #tpu.memory_space<vmem_shared>>) target_semaphore(%run_scoped3A_71 : memref<!tpu.dma_semaphore, #tpu.memory_space<semaphore_mem>>)
      %dma_wait3A = tpu.memref_slice %arg26[%mul3A_30] : memref<10240xf32, #tpu.memory_space<vmem_shared>> -> memref<640xf32, #tpu.memory_space<vmem_shared>>
      %dma_wait3A_73 = tpu.memref_slice %arg26[%mul3A_30] : memref<10240xf32, #tpu.memory_space<vmem_shared>> -> memref<640xf32, #tpu.memory_space<vmem_shared>>
      tpu.wait_dma2 semaphore(%run_scoped3A_71 : memref<!tpu.dma_semaphore, #tpu.memory_space<semaphore_mem>>) src(%arg21 : memref<640xf32, #tpu.memory_space<vmem>>) dst(%dma_wait3A_73 : memref<640xf32, #tpu.memory_space<vmem_shared>>)
      tpu.yield
    }) : () -> ()
    %mul3A_64 = arith.constant 4 : i32
    %mul3A_65 = arith.muli %arg0, %mul3A_64 : i32
    %add3A_66 = arith.constant 2 : i32
    %add3A_67 = arith.addi %mul3A_65, %add3A_66 : i32
    "tpu.region"() ({
      %run_scoped3A_71 = tpu.sem_alloc : memref<!tpu.dma_semaphore, #tpu.memory_space<semaphore_mem>>
      %dma_start3A = tpu.memref_slice %arg7[%add3A_67, %mul3A_30] : memref<8x10240xf32, #tpu.memory_space<hbm>> -> memref<1x640xf32, #tpu.memory_space<hbm>>
      %dma_start3A_72 = tpu.memref_squeeze %dma_start3A : memref<1x640xf32, #tpu.memory_space<hbm>> -> memref<640xf32, #tpu.memory_space<hbm>>
      %dma_start3A_73 = tpu.memref_slice %arg7[%add3A_67, %mul3A_30] : memref<8x10240xf32, #tpu.memory_space<hbm>> -> memref<1x640xf32, #tpu.memory_space<hbm>>
      %dma_start3A_74 = tpu.memref_squeeze %dma_start3A_73 : memref<1x640xf32, #tpu.memory_space<hbm>> -> memref<640xf32, #tpu.memory_space<hbm>>
      tpu.enqueue_dma source(%arg20 : memref<640xf32, #tpu.memory_space<vmem>>) target(%dma_start3A_74 : memref<640xf32, #tpu.memory_space<hbm>>) target_semaphore(%run_scoped3A_71 : memref<!tpu.dma_semaphore, #tpu.memory_space<semaphore_mem>>)
      %dma_wait3A = tpu.memref_slice %arg7[%add3A_67, %mul3A_30] : memref<8x10240xf32, #tpu.memory_space<hbm>> -> memref<1x640xf32, #tpu.memory_space<hbm>>
      %dma_wait3A_75 = tpu.memref_squeeze %dma_wait3A : memref<1x640xf32, #tpu.memory_space<hbm>> -> memref<640xf32, #tpu.memory_space<hbm>>
      %dma_wait3A_76 = tpu.memref_slice %arg7[%add3A_67, %mul3A_30] : memref<8x10240xf32, #tpu.memory_space<hbm>> -> memref<1x640xf32, #tpu.memory_space<hbm>>
      %dma_wait3A_77 = tpu.memref_squeeze %dma_wait3A_76 : memref<1x640xf32, #tpu.memory_space<hbm>> -> memref<640xf32, #tpu.memory_space<hbm>>
      tpu.wait_dma2 semaphore(%run_scoped3A_71 : memref<!tpu.dma_semaphore, #tpu.memory_space<semaphore_mem>>) src(%arg20 : memref<640xf32, #tpu.memory_space<vmem>>) dst(%dma_wait3A_77 : memref<640xf32, #tpu.memory_space<hbm>>)
      tpu.yield
    }) : () -> ()
    %add3A_68 = arith.constant 1 : i32
    %add3A_69 = arith.addi %add3A_67, %add3A_68 : i32
    "tpu.region"() ({
      %run_scoped3A_71 = tpu.sem_alloc : memref<!tpu.dma_semaphore, #tpu.memory_space<semaphore_mem>>
      %dma_start3A = tpu.memref_slice %arg7[%add3A_69, %mul3A_30] : memref<8x10240xf32, #tpu.memory_space<hbm>> -> memref<1x640xf32, #tpu.memory_space<hbm>>
      %dma_start3A_72 = tpu.memref_squeeze %dma_start3A : memref<1x640xf32, #tpu.memory_space<hbm>> -> memref<640xf32, #tpu.memory_space<hbm>>
      %dma_start3A_73 = tpu.memref_slice %arg7[%add3A_69, %mul3A_30] : memref<8x10240xf32, #tpu.memory_space<hbm>> -> memref<1x640xf32, #tpu.memory_space<hbm>>
      %dma_start3A_74 = tpu.memref_squeeze %dma_start3A_73 : memref<1x640xf32, #tpu.memory_space<hbm>> -> memref<640xf32, #tpu.memory_space<hbm>>
      tpu.enqueue_dma source(%arg21 : memref<640xf32, #tpu.memory_space<vmem>>) target(%dma_start3A_74 : memref<640xf32, #tpu.memory_space<hbm>>) target_semaphore(%run_scoped3A_71 : memref<!tpu.dma_semaphore, #tpu.memory_space<semaphore_mem>>)
      %dma_wait3A = tpu.memref_slice %arg7[%add3A_69, %mul3A_30] : memref<8x10240xf32, #tpu.memory_space<hbm>> -> memref<1x640xf32, #tpu.memory_space<hbm>>
      %dma_wait3A_75 = tpu.memref_squeeze %dma_wait3A : memref<1x640xf32, #tpu.memory_space<hbm>> -> memref<640xf32, #tpu.memory_space<hbm>>
      %dma_wait3A_76 = tpu.memref_slice %arg7[%add3A_69, %mul3A_30] : memref<8x10240xf32, #tpu.memory_space<hbm>> -> memref<1x640xf32, #tpu.memory_space<hbm>>
      %dma_wait3A_77 = tpu.memref_squeeze %dma_wait3A_76 : memref<1x640xf32, #tpu.memory_space<hbm>> -> memref<640xf32, #tpu.memory_space<hbm>>
      tpu.wait_dma2 semaphore(%run_scoped3A_71 : memref<!tpu.dma_semaphore, #tpu.memory_space<semaphore_mem>>) src(%arg21 : memref<640xf32, #tpu.memory_space<vmem>>) dst(%dma_wait3A_77 : memref<640xf32, #tpu.memory_space<hbm>>)
      tpu.yield
    }) : () -> ()
    %barrier3A_70 = arith.constant 0 : index
    tpu.barrier barrier_id(%barrier3A_70)
    "tpu.region"() ({
      %run_scoped3A_71 = tpu.sem_alloc : memref<!tpu.dma_semaphore, #tpu.memory_space<semaphore_mem>>
      tpu.enqueue_dma source(%arg25 : memref<10240xf32, #tpu.memory_space<vmem_shared>>) target(%arg18 : memref<10240xf32, #tpu.memory_space<vmem>>) target_semaphore(%run_scoped3A_71 : memref<!tpu.dma_semaphore, #tpu.memory_space<semaphore_mem>>)
      tpu.wait_dma2 semaphore(%run_scoped3A_71 : memref<!tpu.dma_semaphore, #tpu.memory_space<semaphore_mem>>) src(%arg25 : memref<10240xf32, #tpu.memory_space<vmem_shared>>) dst(%arg18 : memref<10240xf32, #tpu.memory_space<vmem>>)
      tpu.yield
    }) : () -> ()
    "tpu.region"() ({
      %run_scoped3A_71 = tpu.sem_alloc : memref<!tpu.dma_semaphore, #tpu.memory_space<semaphore_mem>>
      tpu.enqueue_dma source(%arg26 : memref<10240xf32, #tpu.memory_space<vmem_shared>>) target(%arg19 : memref<10240xf32, #tpu.memory_space<vmem>>) target_semaphore(%run_scoped3A_71 : memref<!tpu.dma_semaphore, #tpu.memory_space<semaphore_mem>>)
      tpu.wait_dma2 semaphore(%run_scoped3A_71 : memref<!tpu.dma_semaphore, #tpu.memory_space<semaphore_mem>>) src(%arg26 : memref<10240xf32, #tpu.memory_space<vmem_shared>>) dst(%arg19 : memref<10240xf32, #tpu.memory_space<vmem>>)
      tpu.yield
    }) : () -> ()
    return
  }
}

module attributes {stable_mosaic.version = 14 : i64} {
  func.func @_tables_x_body(%arg0: i32, %arg1: i32, %arg2: memref<1280x128xf32, #tpu.memory_space<vmem>>, %arg3: memref<1x128xf32, #tpu.memory_space<vmem>>, %arg4: memref<1x128x128xf32, #tpu.memory_space<vmem>>, %arg5: memref<1x1x128xf32, #tpu.memory_space<vmem>>, %arg6: memref<1x1280x128xf32, #tpu.memory_space<vmem>>) attributes {dimension_semantics = [#tpu.dimension_semantics<arbitrary>, #tpu.dimension_semantics<arbitrary>], iteration_bounds = array<i64: 2, 8>, scalar_prefetch = 0 : i64, scratch_operands = 0 : i64, tpu.core_type = #tpu.core_type<tc>, window_params = [{transform_indices = @transform_0, window_bounds = array<i64: 1280, 128>}, {pipeline_mode = #tpu.pipeline_mode<synchronous>, transform_indices = @transform_1, window_bounds = array<i64: 1, 128>}, {transform_indices = @transform_2, window_bounds = array<i64: 1, 128, 128>}, {transform_indices = @transform_3, window_bounds = array<i64: 1, 1, 128>}, {transform_indices = @transform_4, window_bounds = array<i64: 1, 1280, 128>}]} {
    %get3A = arith.constant 0 : index
    %get3A_0 = arith.constant 0 : index
    %get3A_1 = vector.load %arg2[%get3A, %get3A_0] : memref<1280x128xf32, #tpu.memory_space<vmem>>, vector<1280x128xf32>
    %abs3A = math.absf %get3A_1 : vector<1280x128xf32>
    %reduce_max3A = arith.constant dense<0xFF800000> : vector<1280xf32>
    %reduce_max3A_2 = vector.multi_reduction <maximumf>, %abs3A, %reduce_max3A [1] : vector<1280x128xf32> to vector<1280xf32>
    %broadcast_in_dim3A = vector.shape_cast %reduce_max3A_2 : vector<1280xf32> to vector<1280x1xf32>
    %eq3A = arith.constant 0.000000e+00 : f32
    %eq3A_3 = vector.broadcast %eq3A : f32 to vector<1280x1xf32>
    %eq3A_4 = arith.cmpf oeq, %broadcast_in_dim3A, %eq3A_3 : vector<1280x1xf32>
    %get3A_5 = arith.constant 0 : index
    %get3A_6 = arith.constant 0 : index
    %get3A_7 = vector.load %arg3[%get3A_5, %get3A_6] : memref<1x128xf32, #tpu.memory_space<vmem>>, vector<1x128xf32>
    %squeeze3A = vector.shape_cast %get3A_7 : vector<1x128xf32> to vector<128xf32>
    %broadcast_in_dim3A_8 = vector.shape_cast %squeeze3A : vector<128xf32> to vector<1x128xf32>
    %broadcast_in_dim3A_9 = vector.shape_cast %eq3A_4 : vector<1280x1xi1> to vector<1280x1xi1>
    %broadcast_in_dim3A_10 = vector.broadcast %broadcast_in_dim3A_9 : vector<1280x1xi1> to vector<1280x128xi1>
    %broadcast_in_dim3A_11 = vector.shape_cast %broadcast_in_dim3A_8 : vector<1x128xf32> to vector<1x128xf32>
    %broadcast_in_dim3A_12 = vector.broadcast %broadcast_in_dim3A_11 : vector<1x128xf32> to vector<1280x128xf32>
    %select_n3A = arith.select %broadcast_in_dim3A_10, %broadcast_in_dim3A_12, %get3A_1 : vector<1280x128xi1>, vector<1280x128xf32>
    %get3A_13 = arith.constant 0 : index
    %get3A_14 = arith.constant 0 : index
    %get3A_15 = arith.constant 0 : index
    %get3A_16 = vector.load %arg4[%get3A_13, %get3A_14, %get3A_15] : memref<1x128x128xf32, #tpu.memory_space<vmem>>, vector<1x128x128xf32>
    %get3A_17 = vector.shape_cast %get3A_16 : vector<1x128x128xf32> to vector<128x128xf32>
    %dot_general3A = arith.constant dense<0.000000e+00> : vector<1280x128xf32>
    %dot_general3A_18 = tpu.matmul %select_n3A, %get3A_17, %dot_general3A {dimension_numbers = #tpu.dot_dimension_numbers<[1], [0], [0], [1], [0, 0, 1, 1], [], []>, transpose_lhs_hint = false} : vector<1280x128xf32>, vector<128x128xf32>, vector<1280x128xf32> -> vector<1280x128xf32>
    %get3A_19 = arith.constant 0 : index
    %get3A_20 = arith.constant 0 : index
    %get3A_21 = arith.constant 0 : index
    %get3A_22 = vector.load %arg5[%get3A_19, %get3A_20, %get3A_21] : memref<1x1x128xf32, #tpu.memory_space<vmem>>, vector<1x1x128xf32>
    %squeeze3A_23 = vector.shape_cast %get3A_22 : vector<1x1x128xf32> to vector<1x128xf32>
    %add3A = vector.broadcast %squeeze3A_23 : vector<1x128xf32> to vector<1280x128xf32>
    %add3A_24 = arith.addf %dot_general3A_18, %add3A : vector<1280x128xf32>
    %broadcast_in_dim3A_25 = vector.shape_cast %add3A_24 : vector<1280x128xf32> to vector<1x1280x128xf32>
    %swap3A = arith.constant 0 : index
    %swap3A_26 = arith.constant 0 : index
    %swap3A_27 = arith.constant 0 : index
    %swap3A_28 = vector.load %arg6[%swap3A, %swap3A_26, %swap3A_27] : memref<1x1280x128xf32, #tpu.memory_space<vmem>>, vector<1x1280x128xf32>
    tpu.vector_store %arg6[%swap3A, %swap3A_26, %swap3A_27], %broadcast_in_dim3A_25 {strides = array<i32>} : memref<1x1280x128xf32, #tpu.memory_space<vmem>>, vector<1x1280x128xf32>,
    return
  }
  func.func @transform_0(%arg0: i32, %arg1: i32) -> (i32, i32) {
    %c0_i32 = arith.constant 0 : i32
    %c0_i32_0 = arith.constant 0 : i32
    return %arg1, %c0_i32 : i32, i32
  }
  func.func @transform_1(%arg0: i32, %arg1: i32) -> (i32, i32) {
    %c0_i32 = arith.constant 0 : i32
    %c0_i32_0 = arith.constant 0 : i32
    %c0_i32_1 = arith.constant 0 : i32
    return %c0_i32, %c0_i32_0 : i32, i32
  }
  func.func @transform_2(%arg0: i32, %arg1: i32) -> (i32, i32, i32) {
    %c0_i32 = arith.constant 0 : i32
    %c0_i32_0 = arith.constant 0 : i32
    %c0_i32_1 = arith.constant 0 : i32
    return %arg0, %c0_i32, %c0_i32_0 : i32, i32, i32
  }
  func.func @transform_3(%arg0: i32, %arg1: i32) -> (i32, i32, i32) {
    %c0_i32 = arith.constant 0 : i32
    %c0_i32_0 = arith.constant 0 : i32
    %c0_i32_1 = arith.constant 0 : i32
    return %arg0, %c0_i32, %c0_i32_0 : i32, i32, i32
  }
  func.func @transform_4(%arg0: i32, %arg1: i32) -> (i32, i32, i32) {
    %c0_i32 = arith.constant 0 : i32
    %c0_i32_0 = arith.constant 0 : i32
    return %arg0, %arg1, %c0_i32 : i32, i32, i32
  }
}

module attributes {stable_mosaic.version = 14 : i64} {
  func.func @_tables_add_body(%arg0: i32, %arg1: i32, %arg2: memref<1x1280x128xf32, #tpu.memory_space<vmem>>, %arg3: memref<1280x16xf32, #tpu.memory_space<vmem>>, %arg4: memref<1x16x128xf32, #tpu.memory_space<vmem>>, %arg5: memref<1x1280x128xf32, #tpu.memory_space<vmem>>) attributes {dimension_semantics = [#tpu.dimension_semantics<arbitrary>, #tpu.dimension_semantics<arbitrary>], iteration_bounds = array<i64: 2, 8>, scalar_prefetch = 0 : i64, scratch_operands = 0 : i64, tpu.core_type = #tpu.core_type<tc>, window_params = [{transform_indices = @transform_0, window_bounds = array<i64: 1, 1280, 128>}, {transform_indices = @transform_1, window_bounds = array<i64: 1280, 16>}, {transform_indices = @transform_2, window_bounds = array<i64: 1, 16, 128>}, {transform_indices = @transform_3, window_bounds = array<i64: 1, 1280, 128>}]} {
    %get3A = arith.constant 0 : index
    %get3A_0 = arith.constant 0 : index
    %get3A_1 = vector.load %arg3[%get3A, %get3A_0] : memref<1280x16xf32, #tpu.memory_space<vmem>>, vector<1280x16xf32>
    %get3A_2 = arith.constant 0 : index
    %get3A_3 = arith.constant 0 : index
    %get3A_4 = arith.constant 0 : index
    %get3A_5 = vector.load %arg4[%get3A_2, %get3A_3, %get3A_4] : memref<1x16x128xf32, #tpu.memory_space<vmem>>, vector<1x16x128xf32>
    %get3A_6 = vector.shape_cast %get3A_5 : vector<1x16x128xf32> to vector<16x128xf32>
    %dot_general3A = arith.constant dense<0.000000e+00> : vector<1280x128xf32>
    %dot_general3A_7 = tpu.matmul %get3A_1, %get3A_6, %dot_general3A {dimension_numbers = #tpu.dot_dimension_numbers<[1], [0], [0], [1], [0, 0, 1, 1], [], []>, transpose_lhs_hint = false} : vector<1280x16xf32>, vector<16x128xf32>, vector<1280x128xf32> -> vector<1280x128xf32>
    %get3A_8 = arith.constant 0 : index
    %get3A_9 = arith.constant 0 : index
    %get3A_10 = arith.constant 0 : index
    %get3A_11 = vector.load %arg2[%get3A_8, %get3A_9, %get3A_10] : memref<1x1280x128xf32, #tpu.memory_space<vmem>>, vector<1x1280x128xf32>
    %broadcast_in_dim3A = vector.shape_cast %dot_general3A_7 : vector<1280x128xf32> to vector<1x1280x128xf32>
    %add3A = arith.addf %get3A_11, %broadcast_in_dim3A : vector<1x1280x128xf32>
    %swap3A = arith.constant 0 : index
    %swap3A_12 = arith.constant 0 : index
    %swap3A_13 = arith.constant 0 : index
    %swap3A_14 = vector.load %arg5[%swap3A, %swap3A_12, %swap3A_13] : memref<1x1280x128xf32, #tpu.memory_space<vmem>>, vector<1x1280x128xf32>
    tpu.vector_store %arg5[%swap3A, %swap3A_12, %swap3A_13], %add3A {strides = array<i32>} : memref<1x1280x128xf32, #tpu.memory_space<vmem>>, vector<1x1280x128xf32>,
    return
  }
  func.func @transform_0(%arg0: i32, %arg1: i32) -> (i32, i32, i32) {
    %c0_i32 = arith.constant 0 : i32
    %c0_i32_0 = arith.constant 0 : i32
    return %arg0, %arg1, %c0_i32 : i32, i32, i32
  }
  func.func @transform_1(%arg0: i32, %arg1: i32) -> (i32, i32) {
    %c0_i32 = arith.constant 0 : i32
    %c0_i32_0 = arith.constant 0 : i32
    return %arg1, %c0_i32 : i32, i32
  }
  func.func @transform_2(%arg0: i32, %arg1: i32) -> (i32, i32, i32) {
    %c0_i32 = arith.constant 0 : i32
    %c0_i32_0 = arith.constant 0 : i32
    %c0_i32_1 = arith.constant 0 : i32
    return %arg0, %c0_i32, %c0_i32_0 : i32, i32, i32
  }
  func.func @transform_3(%arg0: i32, %arg1: i32) -> (i32, i32, i32) {
    %c0_i32 = arith.constant 0 : i32
    %c0_i32_0 = arith.constant 0 : i32
    return %arg0, %arg1, %c0_i32 : i32, i32, i32
  }
}

module attributes {stable_mosaic.version = 14 : i64} {
  func.func @_edge_body(%arg0: i32, %arg1: memref<2560x128xf32, #tpu.memory_space<vmem>>, %arg2: memref<2560x128xf32, #tpu.memory_space<vmem>>, %arg3: memref<2560x128xf32, #tpu.memory_space<vmem>>, %arg4: memref<2560x128xf32, #tpu.memory_space<vmem>>, %arg5: memref<128x128xf32, #tpu.memory_space<vmem>>, %arg6: memref<128x128xf32, #tpu.memory_space<vmem>>, %arg7: memref<128x1xf32, #tpu.memory_space<vmem>>, %arg8: memref<1x1xf32, #tpu.memory_space<vmem>>, %arg9: memref<2560x1xf32, #tpu.memory_space<vmem>>) attributes {dimension_semantics = [#tpu.dimension_semantics<arbitrary>], iteration_bounds = array<i64: 125>, scalar_prefetch = 0 : i64, scratch_operands = 0 : i64, tpu.core_type = #tpu.core_type<tc>, window_params = [{transform_indices = @transform_0, window_bounds = array<i64: 2560, 128>}, {transform_indices = @transform_1, window_bounds = array<i64: 2560, 128>}, {transform_indices = @transform_2, window_bounds = array<i64: 2560, 128>}, {transform_indices = @transform_3, window_bounds = array<i64: 2560, 128>}, {pipeline_mode = #tpu.pipeline_mode<synchronous>, transform_indices = @transform_4, window_bounds = array<i64: 128, 128>}, {pipeline_mode = #tpu.pipeline_mode<synchronous>, transform_indices = @transform_5, window_bounds = array<i64: 128, 128>}, {pipeline_mode = #tpu.pipeline_mode<synchronous>, transform_indices = @transform_6, window_bounds = array<i64: 128, 1>}, {pipeline_mode = #tpu.pipeline_mode<synchronous>, transform_indices = @transform_7, window_bounds = array<i64: 1, 1>}, {transform_indices = @transform_8, window_bounds = array<i64: 2560, 1>}]} {
    %get3A = arith.constant 0 : index
    %get3A_0 = arith.constant 0 : index
    %get3A_1 = vector.load %arg1[%get3A, %get3A_0] : memref<2560x128xf32, #tpu.memory_space<vmem>>, vector<2560x128xf32>
    %get3A_2 = arith.constant 0 : index
    %get3A_3 = arith.constant 0 : index
    %get3A_4 = vector.load %arg5[%get3A_2, %get3A_3] : memref<128x128xf32, #tpu.memory_space<vmem>>, vector<128x128xf32>
    %dot_general3A = arith.constant dense<0.000000e+00> : vector<2560x128xf32>
    %dot_general3A_5 = tpu.matmul %get3A_1, %get3A_4, %dot_general3A {dimension_numbers = #tpu.dot_dimension_numbers<[1], [0], [0], [1], [0, 0, 1, 1], [], []>, transpose_lhs_hint = false} : vector<2560x128xf32>, vector<128x128xf32>, vector<2560x128xf32> -> vector<2560x128xf32>
    %get3A_6 = arith.constant 0 : index
    %get3A_7 = arith.constant 0 : index
    %get3A_8 = vector.load %arg2[%get3A_6, %get3A_7] : memref<2560x128xf32, #tpu.memory_space<vmem>>, vector<2560x128xf32>
    %get3A_9 = arith.constant 0 : index
    %get3A_10 = arith.constant 0 : index
    %get3A_11 = vector.load %arg6[%get3A_9, %get3A_10] : memref<128x128xf32, #tpu.memory_space<vmem>>, vector<128x128xf32>
    %dot_general3A_12 = arith.constant dense<0.000000e+00> : vector<2560x128xf32>
    %dot_general3A_13 = tpu.matmul %get3A_8, %get3A_11, %dot_general3A_12 {dimension_numbers = #tpu.dot_dimension_numbers<[1], [0], [0], [1], [0, 0, 1, 1], [], []>, transpose_lhs_hint = false} : vector<2560x128xf32>, vector<128x128xf32>, vector<2560x128xf32> -> vector<2560x128xf32>
    %add3A = arith.addf %dot_general3A_5, %dot_general3A_13 : vector<2560x128xf32>
    %get3A_14 = arith.constant 0 : index
    %get3A_15 = arith.constant 0 : index
    %get3A_16 = vector.load %arg3[%get3A_14, %get3A_15] : memref<2560x128xf32, #tpu.memory_space<vmem>>, vector<2560x128xf32>
    %get3A_17 = arith.constant 0 : index
    %get3A_18 = arith.constant 0 : index
    %get3A_19 = vector.load %arg4[%get3A_17, %get3A_18] : memref<2560x128xf32, #tpu.memory_space<vmem>>, vector<2560x128xf32>
    %add3A_20 = arith.addf %get3A_16, %get3A_19 : vector<2560x128xf32>
    %add3A_21 = arith.addf %add3A, %add3A_20 : vector<2560x128xf32>
    %max3A = arith.constant 0.000000e+00 : f32
    %max3A_22 = vector.broadcast %max3A : f32 to vector<2560x128xf32>
    %max3A_23 = arith.maximumf %add3A_21, %max3A_22 : vector<2560x128xf32>
    %get3A_24 = arith.constant 0 : index
    %get3A_25 = arith.constant 0 : index
    %get3A_26 = vector.load %arg7[%get3A_24, %get3A_25] : memref<128x1xf32, #tpu.memory_space<vmem>>, vector<128x1xf32>
    %dot_general3A_27 = arith.constant dense<0.000000e+00> : vector<2560x1xf32>
    %dot_general3A_28 = tpu.matmul %max3A_23, %get3A_26, %dot_general3A_27 {dimension_numbers = #tpu.dot_dimension_numbers<[1], [0], [0], [1], [0, 0, 1, 1], [], []>, transpose_lhs_hint = false} : vector<2560x128xf32>, vector<128x1xf32>, vector<2560x1xf32> -> vector<2560x1xf32>
    %get3A_29 = arith.constant 0 : index
    %get3A_30 = arith.constant 0 : index
    %get3A_31 = vector.load %arg8[%get3A_29, %get3A_30] : memref<1x1xf32, #tpu.memory_space<vmem>>, vector<1x1xf32>
    %squeeze3A = vector.shape_cast %get3A_31 : vector<1x1xf32> to vector<1xf32>
    %broadcast_in_dim3A = vector.shape_cast %squeeze3A : vector<1xf32> to vector<1x1xf32>
    %add3A_32 = vector.broadcast %broadcast_in_dim3A : vector<1x1xf32> to vector<2560x1xf32>
    %add3A_33 = arith.addf %dot_general3A_28, %add3A_32 : vector<2560x1xf32>
    %swap3A = arith.constant 0 : index
    %swap3A_34 = arith.constant 0 : index
    %swap3A_35 = vector.load %arg9[%swap3A, %swap3A_34] : memref<2560x1xf32, #tpu.memory_space<vmem>>, vector<2560x1xf32>
    tpu.vector_store %arg9[%swap3A, %swap3A_34], %add3A_33 {strides = array<i32>} : memref<2560x1xf32, #tpu.memory_space<vmem>>, vector<2560x1xf32>,
    return
  }
  func.func @transform_0(%arg0: i32) -> (i32, i32) {
    %c0_i32 = arith.constant 0 : i32
    %c0_i32_0 = arith.constant 0 : i32
    return %arg0, %c0_i32 : i32, i32
  }
  func.func @transform_1(%arg0: i32) -> (i32, i32) {
    %c0_i32 = arith.constant 0 : i32
    %c0_i32_0 = arith.constant 0 : i32
    return %arg0, %c0_i32 : i32, i32
  }
  func.func @transform_2(%arg0: i32) -> (i32, i32) {
    %c0_i32 = arith.constant 0 : i32
    %c0_i32_0 = arith.constant 0 : i32
    return %arg0, %c0_i32 : i32, i32
  }
  func.func @transform_3(%arg0: i32) -> (i32, i32) {
    %add3A = arith.constant 125 : i32
    %add3A_0 = arith.addi %add3A, %arg0 : i32
    %c0_i32 = arith.constant 0 : i32
    %c0_i32_1 = arith.constant 0 : i32
    return %add3A_0, %c0_i32 : i32, i32
  }
  func.func @transform_4(%arg0: i32) -> (i32, i32) {
    %c0_i32 = arith.constant 0 : i32
    %c0_i32_0 = arith.constant 0 : i32
    %c0_i32_1 = arith.constant 0 : i32
    return %c0_i32, %c0_i32_0 : i32, i32
  }
  func.func @transform_5(%arg0: i32) -> (i32, i32) {
    %c0_i32 = arith.constant 0 : i32
    %c0_i32_0 = arith.constant 0 : i32
    %c0_i32_1 = arith.constant 0 : i32
    return %c0_i32, %c0_i32_0 : i32, i32
  }
  func.func @transform_6(%arg0: i32) -> (i32, i32) {
    %c0_i32 = arith.constant 0 : i32
    %c0_i32_0 = arith.constant 0 : i32
    %c0_i32_1 = arith.constant 0 : i32
    return %c0_i32, %c0_i32_0 : i32, i32
  }
  func.func @transform_7(%arg0: i32) -> (i32, i32) {
    %c0_i32 = arith.constant 0 : i32
    %c0_i32_0 = arith.constant 0 : i32
    %c0_i32_1 = arith.constant 0 : i32
    return %c0_i32, %c0_i32_0 : i32, i32
  }
  func.func @transform_8(%arg0: i32) -> (i32, i32) {
    %c0_i32 = arith.constant 0 : i32
    %c0_i32_0 = arith.constant 0 : i32
    return %arg0, %c0_i32 : i32, i32
  }
}

</mosaic_0001>

<sc_bundles>
// kernel: kernel.10.cloned.1.call-start
scs
__scs_entry_jumppad:
0x0: {  	(pc) =	sbr.rel $0x88, $3  }
0x1: {  	(tag) =	ssettag $0x0;
	lr =	simm.s32 $0x1  }
0x2: {  	[smem:$0x3F97] =	sst lr;
	_ =	strace $0xD0000000  }
0x3: {  	_ = 	snop  }
0x4: {  	_ = 	snop  }
0x5: {  	_ = 	snop  }
0x6: {  	_ = 	snop  }
0x7: {  	_ = 	snop  }
__scs_overlays_trampoline_lowered:
0x8: {  	[smem:$0x3FA6] =	sst s0  }
0x9: {  	[smem:$0x3FA7] =	sst s1  }
0xa: {  	[smem:$0x3FA8] =	sst s2  }
0xb: {  	[smem:$0x3FA9] =	sst s3  }
0xc: {  	[smem:$0x3FAA] =	sst s4  }
0xd: {  	[smem:$0x3FAB] =	sst s5  }
0xe: {  	[smem:$0x3FAC] =	sst s6  }
0xf: {  	[smem:$0x3FAD] =	sst s7  }
0x10: {  	[smem:$0x3FAE] =	sst s8  }
0x11: {  	[smem:$0x3FAF] =	sst s9;
	s0 =	simm.s32 @!p0 $0x0  }
0x12: {  	s1 =	sld [smem:$0x3F95];
	s0 =	simm.s32 @p0 $0x1  }
0x13: {  	[smem:$0x3FB0] =	sst s0;
	s0 =	simm.s32 @!p1 $0x0  }
0x14: {  	s2 =	sld [smem:$0x3F94];
	s0 =	simm.s32 @p1 $0x1  }
0x15: {  	[smem:$0x3FB1] =	sst s0;
	s0 =	simm.s32 @!p2 $0x0  }
0x16: {  	s3 =	sld [smem:$0x3FDB];
	s0 =	simm.s32 @p2 $0x1  }
0x17: {  	s4 =	simm.s32 $0x1BF5;
	[smem:$0x3FB3] =	sst s0  }
0x18: {  	s0 =	sld [smem:$0x3F96];
	_ =	swait.ge [sflag:s4], $0x0  }
0x19: {  	s7 =	sld [smem:$0x3F97]  }
0x1a: {  	s8 =	sadd.s32 $0xFFFFE003, lr  }
0x1b: {  	s9 =	sadd.s32 $0xFFFFFEF7, lr;
	s5 =	simm.s32 $0xFFFFFFFF;
	p2 =	slt.u32 s8, $0xFFFFF086  }
0x1c: {  	p1 =	slt.u32 s9, $0xF7A;
	s5 =	simm.s32 @!p2 $0x0  }
0x1d: {  	s5 =	simm.s32 @p1 $0x1;
	p0 =	seq.s32 s7, s2  }
0x1e: {  	s7 =	smul.u32 @!p0 $0xF7A, s2;
	p2 =	seq.s32 @!p0 s5, $0x0  }
0x1f: {  	s9 =	smul.u32 $0xF7A, s1;
	s8 =	simm.s32 @!p0 $0x1BF5;
	p2 =	por !p2, p0  }
0x20: {  	[sflag:s8] =	ssyncset.s32 @!p0 $0xFFFFF086;
	s6 =	sadd.s32 @!p0 s3, s7;
	s7 =	simm.s32 @!p0 $0x108  }
0x21: {  	s3 =	sadd.s32 s3, s9;
	s6 =	sadd.s32 @!p0 $0x88, s6;
	s7 =	simm.s32 @p2 $0x1082  }
0x22: {  	[simem:s7], [sflag:s8] =	dma.local @!p0 [hbm:s6], $0xF7A  }
0x23: {  	s9 =	sor.u32 $0xD0000000, s2;
	s6 =	simm.s32 $0x108;
	_ =	swait.ge @!p0 [sflag:s8], $0x0  }
0x24: {  	s3 =	sadd.s32 $0x88, s3;
	s6 =	simm.s32 @!p1 $0x1082;
	[sflag:s4] =	ssyncset.s32 $0xFFFFF086  }
0x25: {  	[simem:s6], [sflag:s4] =	dma.local [hbm:s3], $0xF7A  }
0x26: {  	[smem:$0x3F97] =	sst s1;
	(tag) =	ssettag s2;
	_ =	strace s9  }
0x27: {  	s1 =	sld [smem:$0x3FA7]  }
0x28: {  	s2 =	sld [smem:$0x3FA8]  }
0x29: {  	s4 =	sld [smem:$0x3FAA]  }
0x2a: {  	p0 =	seq.s32 s5, $0x0;
	s5 =	sld [smem:$0x3FAB]  }
0x2b: {  	s6 =	sld [smem:$0x3FAC]  }
0x2c: {  	s7 =	sld [smem:$0x3FAD]  }
0x2d: {  	s3 =	simm.s32 $0x108;
	s8 =	sld [smem:$0x3FAE]  }
0x2e: {  	s3 =	simm.s32 @!p0 $0x1082;
	s9 =	sld [smem:$0x3FAF]  }
0x2f: {  	lr =	sadd.s32 s0, s3;
	s0 =	sld [smem:$0x3FA6]  }
0x30: {  	s3 =	sld [smem:$0x3FA9]  }
0x31: {  	[smem:$0x3FB2] =	sst s10  }
0x32: {  	s10 =	sld [smem:$0x3FB0];
	_ =	sdelay $0x3  }
0x33: {  	p0 =	seq.s32 s10, $0x1;
	s10 =	sld [smem:$0x3FB2];
	_ =	sdelay $0x3  }
0x34: {  	[smem:$0x3FB2] =	sst s10  }
0x35: {  	s10 =	sld [smem:$0x3FB1];
	_ =	sdelay $0x3  }
0x36: {  	p1 =	seq.s32 s10, $0x1;
	s10 =	sld [smem:$0x3FB2];
	_ =	sdelay $0x3  }
0x37: {  	[smem:$0x3FB2] =	sst s10  }
0x38: {  	s10 =	sld [smem:$0x3FB3]  }
0x39: {  	_ = 	snop;
	(pc) =	sbr.ind lr, $3  }
0x3a: {  	_ = 	snop  }
0x3b: {  	_ = 	snop  }
0x3c: {  	p2 =	seq.s32 s10, $0x1;
	s10 =	sld [smem:$0x3FB2]  }
0x3d: {  	_ =	shalt  }
0x3e: {  	_ =	shalt  }
0x3f: {  	_ =	shalt  }
0x40: {  	_ =	shalt  }
0x41: {  	_ =	shalt  }
0x42: {  	_ =	shalt  }
0x43: {  	_ =	shalt  }
0x44: {  	_ =	shalt  }
0x45: {  	_ =	shalt  }
0x46: {  	_ =	shalt  }
0x47: {  	_ =	shalt  }
0x48: {  	_ =	shalt  }
0x49: {  	_ =	shalt  }
0x4a: {  	_ =	shalt  }
0x4b: {  	_ =	shalt  }
0x4c: {  	_ =	shalt  }
0x4d: {  	_ =	shalt  }
0x4e: {  	_ =	shalt  }
0x4f: {  	_ =	shalt  }
0x50: {  	_ =	shalt  }
0x51: {  	_ =	shalt  }
0x52: {  	_ =	shalt  }
0x53: {  	_ =	shalt  }
0x54: {  	_ =	shalt  }
0x55: {  	_ =	shalt  }
0x56: {  	_ =	shalt  }
0x57: {  	_ =	shalt  }
0x58: {  	_ =	shalt  }
0x59: {  	_ =	shalt  }
0x5a: {  	_ =	shalt  }
0x5b: {  	_ =	shalt  }
0x5c: {  	_ =	shalt  }
0x5d: {  	_ =	shalt  }
0x5e: {  	_ =	shalt  }
0x5f: {  	_ =	shalt  }
0x60: {  	_ =	shalt  }
0x61: {  	_ =	shalt  }
0x62: {  	_ =	shalt  }
0x63: {  	_ =	shalt  }
0x64: {  	_ =	shalt  }
0x65: {  	_ =	shalt  }
0x66: {  	_ =	shalt  }
0x67: {  	_ =	shalt  }
0x68: {  	_ =	shalt  }
0x69: {  	_ =	shalt  }
0x6a: {  	_ =	shalt  }
0x6b: {  	_ =	shalt  }
0x6c: {  	_ =	shalt  }
0x6d: {  	_ =	shalt  }
0x6e: {  	_ =	shalt  }
0x6f: {  	_ =	shalt  }
0x70: {  	_ =	shalt  }
0x71: {  	_ =	shalt  }
0x72: {  	_ =	shalt  }
0x73: {  	_ =	shalt  }
0x74: {  	_ =	shalt  }
0x75: {  	_ =	shalt  }
0x76: {  	_ =	shalt  }
0x77: {  	_ =	shalt  }
0x78: {  	_ =	shalt  }
0x79: {  	_ =	shalt  }
0x7a: {  	_ =	shalt  }
0x7b: {  	_ =	shalt  }
0x7c: {  	_ =	shalt  }
0x7d: {  	_ =	shalt  }
0x7e: {  	_ =	shalt  }
0x7f: {  	_ =	shalt  }
0x80: {  	_ =	shalt  }
0x81: {  	_ =	shalt  }
0x82: {  	_ =	shalt  }
0x83: {  	_ =	shalt  }
0x84: {  	_ =	shalt  }
0x85: {  	_ =	shalt  }
0x86: {  	_ =	shalt  }
0x87: {  	_ =	shalt  }
.Lfunc_end0:
.L_simem_size_0:
called_computation.1_lowered:
.L_overlay_start_0:
0x88: {  	s2 =	sld [smem:$0x3FD9]  }
0x89: {  	s3 =	sld [smem:$0x3FFE];
	_ =	sdelay $0x1  }
0x8a: {  	s1 =	srdreg.scid  }
0x8b: {  	s0 =	sand.u32 $0x1, s1  }
0x8c: {  	s16 =	sshll.u32 s0, $0xA;
	s2 =	sadd.s32 s3, s2  }
0x8d: {  	s2 =	sadd.s32 s2, s16  }
0x8e: {  	[smem:$0x3FBE] =	sst s2  }
0x8f: {  	_ = 	snop  }
0x90: {  	(tm) =	ssettm $0x1  }
0x91: {  	s17 =	sld [smem:$0x3FFB];
	_ =	sdelay $0x3  }
0x92: {  	_ =	strace s17  }
0x93: {  	s2 =	sld [smem:$0x3FFC];
	_ =	sdelay $0x3  }
0x94: {  	_ =	strace s2  }
0x95: {  	s2 =	sld [smem:$0x3FFD];
	_ =	sdelay $0x3  }
0x96: {  	_ =	strace s2  }
0x97: {  	_ =	strace $0x8FFFFFFF  }
0x98: {  	s18 =	sld [smem:$0x3FDB];
	_ =	sdelay $0x1  }
0x99: {  	s19 =	simm.s32 $_scs_section_size  }
0x9a: {  	s4 =	simm.s32 $_size__tile_overlayer_lowered;
	s5 =	simm.s32 $_tile_overlayer_lowered  }
0x9b: {  	s22 =	simm.s32 $0x1BFF;
	s21 =	sshll.u32 s5, $0x1;
	s2 =	sadd.s32 s19, s18  }
0x9c: {  	s6 =	simm.s32 $0x0;
	s20 =	sshll.u32 s4, $0x1;
	s4 =	sadd.s32 s21, s2  }
0x9d: {  	[timem:s6], [sflag:s22] =	dma.local [hbm:s4], s20  }
0x9e: {  	_ =	swait.ge [sflag:s22], s20  }
0x9f: {  	s3 =	ssub.s32 $0x0, s20;
	[sflag:s22] =	ssyncset.done $0x0  }
0xa0: {  	[sflag:s22] =	ssyncadd.s32 s3;
	_ =	sdelay $0x1  }
0xa1: {  	s23 =	simm.s32 $0x1B8B  }
0xa2: {  	_ =	swait.ge [sflag:s23], $0x1  }
0xa3: {  	[sflag:s23] =	ssyncset.done $0x0  }
0xa4: {  	s25 =	simm.s32 $0x1B8E;
	s24 =	sld [smem:$0x3FFE];
	[sflag:s23] =	ssyncadd.s32 $0xFFFFFFFF  }
0xa5: {  	s26 =	simm.s32 $execute0_lowered;
	[smem:$0x3FD2] =	sst s25  }
0xa6: {  	s4 =	sshll.u32 s26, $0x1;
	_ =	strace $0x80000049;
	[dreg:$0x1] =	wrdreg $0xFFFFFFFF  }
0xa7: {  	s28 =	simm.s32 $_size_execute0_lowered;
	s2 =	sadd.s32 s2, s4;
	[dreg:$0x0] =	wrdreg $0x0  }
0xa8: {  	s4 =	sshll.u32 s28, $0x1;
	[dreg:$0x2] =	wrdreg s2  }
0xa9: {  	[dreg:$0x3] =	wrdreg s4  }
0xaa: {  	[dreg:$0x4] =	wrdreg $0xC0  }
0xab: {  	_ =	task [dreg:s6], $0x5FFFF  }
0xac: {  	[dreg:$0x1] =	wrdreg $0xFFFFFFFF  }
0xad: {  	[dreg:$0x0] =	wrdreg $0x60  }
0xae: {  	[dreg:$0x2] =	wrdreg s24  }
0xaf: {  	[dreg:$0x3] =	wrdreg $0x9  }
0xb0: {  	_ =	task.clear_ibuf [dreg:s6], $0x4FFFF;
	_ =	strace $0x90000049  }
0xb1: {  	s29 =	simm.s32 $0x9;
	_ =	strace $0x8000004B  }
0xb2: {  	_ =	swait.ge [sflag:s29], $0x1  }
0xb3: {  	[sflag:s29] =	ssyncadd.s32 $0xFFFFFFFF  }
0xb4: {  	_ =	strace $0x9000004B  }
0xb5: {  	_ =	sfence  }
0xb6: {  	s30 =	sld [smem:$0x0];
	_ =	sdelay $0x2  }
0xb7: {  	s31 =	sshll.u32 s1, $0xD;
	s1 =	sshrl.u32 s1, $0x2  }
0xb8: {  	s3 =	sand.u32 $0x4000, s31;
	s1 =	sadd.s32 s1, s30  }
0xb9: {  	s0 =	sor.u32 s3, s0;
	s1 =	sshll.u32 s1, $0x11  }
0xba: {  	s0 =	sor.u32 s1, s0  }
0xbb: {  	s0 =	sadd.s32 $0x8F2B, s0  }
0xbc: {  	[sflag:s0] =	ssyncadd.remote.s32 $0x1  }
0xbd: {  	_ =	sfence.sel $0xFFFF  }
0xbe: {  	[dreg:$0x0] =	wrdreg $0xFFFFFFFF;
	(pc) =	sbr.abs _section_cstart, $3  }
0xbf: {  	[dreg:$0x1] =	wrdreg $0xFFFFFFFF  }
0xc0: {  	_ =	task.clear_ibuf [dreg:s6], $0x2FFFF;
	_ =	strace $0x9FFFFFFF  }
0xc1: {  	(tm) =	ssettm $0x7FFFFFFF  }
tec
execute0_lowered:
.L_overlay_start_1:
0x0: {  	(tag) =	ssettag $0x1  }
0x1: {  	s1 =	srdreg.scid  }
0x2: {  	s0 =	stileid.u32;
	s4 =	rddreg [dreg:$0x0];
	s2 =	simm.s32 $0x0  }
0x3: {  	s14 =	simm.s32 $0x1;
	s15 =	simm.s32 $0x2;
	s12 =	smul.u32 $0xA0000, s0  }
0x4: {  	s16 =	simm.s32 $0x0;
	s7 =	sand.u32 $0x1, s1;
	s24 =	smul.u32 $0x500000, s0  }
0x5: {  	s3 =	sshll.u32 s0, $0x1;
	s1 =	rddreg [dreg:$0x1];
	s26 =	smul.u32 $0x280000, s7  }
0x6: {  	[smem:$0x7FF] =	sst s2;
	s5 =	sor.u32 s7, s3;
	s13 =	smul.u32 $0x50000, s7  }
0x7: {  	s11 =	sadd.s32 $0x8F400, s4;
	_ =	strace $0x8000004A;
	s6 =	smul.u32 $0xA00, s5  }
0x8: {  	s3 =	sadd.s32 $0x3F400, s4;
	s9 =	ssub.s32 $0x2, s7;
	s8 =	smul.u32 $0x280000, s5  }
0x9: {  	s10 =	smul.u32 $0x50000, s5;
	s22 =	sshrl.u32 s9, $0x1;
	s29 =	sadd.s32 s12, s11  }
0xa: {  	s12 =	simm.s32 $0x5000;
	s23 =	ssub.s32 s9, s22;
	s30 =	sadd.s32 s13, s29  }
0xb: {  	s13 =	simm.s32 $0x9000;
	s6 =	sadd.s32 s6, s4;
	s8 =	sshrl.u32 s8, $0x3  }
0xc: {  	s5 =	smax.u32 s23, $0x1;
	s28 =	sadd.s32 s10, s11;
	s10 =	simm.s32 $0x3  }
0xd: {  	s4 =	sadd.s32 $0x2A400, s6;
	s25 =	sadd.s32 s11, s8;
	s8 =	sadd.s32 s26, s24  }
0xe: {  	s7 =	sadd.s32 $0x4F800, s28;
	s6 =	sadd.s32 $0x4F000, s25;
	s31 =	sshrl.u32 s8, $0x3  }
0xf: {  	s8 =	sadd.s32 $0x800, s30;
	s9 =	sadd.s32 s31, s11;
	s11 =	simm.s32 $0x80  }
.LBB2_1:
0x10: {  	[tilespmem:s2], [sflag:$0x3] =	stream.linear.gather [hbm4b:s4+s2], $0x5000, $0x38;
	[tilespmem:$0xD000] =	vst v63  }
0x11: {  	_ =	swait.ge [sflag:s10], $0x5000  }
0x12: {  	[sflag:s10] =	ssyncset.done $0x0  }
0x13: {  	[sflag:s10] =	ssyncadd.s32 $0xFFFFB000  }
0x14: {  	[tilespmem:s12], [sflag:$0x1] =	stream.indirect.gather [hbm4b:s3+s11], $0x80, s2, s11, $0xb8;
	[tilespmem:$0xD000] =	vst v63  }
0x15: {  	_ = 	snop  }
0x16: {  	[tilespmem:s13], [sflag:$0x2] =	stream.indirect.gather [hbm4b:s3+s11], $0x80, s11, s11, $0xb8;
	[tilespmem:$0xD000] =	vst v63  }
0x17: {  	_ =	swait.ge [sflag:s14], $0x4000  }
0x18: {  	[sflag:s14] =	ssyncset.done $0x0  }
0x19: {  	s17 =	sadd.s32 $0x0, s9;
	[sflag:s14] =	ssyncadd.s32 $0xFFFFC000  }
0x1a: {  	[hbm4b:s17+s2] =	stream.linear.scatter [tilespmem:s12], [sflag:$0x3], $0x4000, $0x38;
	[tilespmem:$0xD000] =	vst v63  }
0x1b: {  	_ =	swait.ge [sflag:s10], $0x4000  }
0x1c: {  	[sflag:s10] =	ssyncset.done $0x0  }
0x1d: {  	s30 =	simm.s32 $0x100;
	[sflag:s10] =	ssyncadd.s32 $0xFFFFC000  }
0x1e: {  	[tilespmem:s12], [sflag:$0x1] =	stream.indirect.gather [hbm4b:s3+s11], $0x80, s30, s11, $0xb8;
	[tilespmem:$0xD000] =	vst v63  }
0x1f: {  	_ =	swait.ge [sflag:s15], $0x4000  }
0x20: {  	[sflag:s15] =	ssyncset.done $0x0  }
0x21: {  	s31 =	sadd.s32 $0x0, s8;
	[sflag:s15] =	ssyncadd.s32 $0xFFFFC000  }
0x22: {  	[hbm4b:s31+s2] =	stream.linear.scatter [tilespmem:s13], [sflag:$0x3], $0x4000, $0x38;
	[tilespmem:$0xD000] =	vst v63  }
0x23: {  	_ =	swait.ge [sflag:s10], $0x4000  }
0x24: {  	s18 =	simm.s32 $0x1000;
	[sflag:s10] =	ssyncset.done $0x0  }
0x25: {  	s19 =	simm.s32 $0x280;
	s17 =	simm.s32 $0x180;
	[sflag:s10] =	ssyncadd.s32 $0xFFFFC000  }
.LBB2_2:
0x26: {  	[tilespmem:s13], [sflag:$0x2] =	stream.indirect.gather [hbm4b:s3+s11], $0x80, s17, s11, $0xb8;
	[tilespmem:$0xD000] =	vst v63  }
0x27: {  	s20 =	smov.u32 s18;
	s17 =	smov.u32 s19  }
0x28: {  	p0 =	sne.s32 s18, $0x4E000;
	s18 =	sadd.s32 $0x1000, s18;
	_ =	swait.ge [sflag:s14], $0x4000  }
0x29: {  	[sflag:s14] =	ssyncset.done $0x0  }
0x2a: {  	s21 =	sadd.s32 s20, s9;
	[sflag:s14] =	ssyncadd.s32 $0xFFFFC000  }
0x2b: {  	[hbm4b:s21+s2] =	stream.linear.scatter [tilespmem:s12], [sflag:$0x3], $0x4000, $0x38;
	[tilespmem:$0xD000] =	vst v63  }
0x2c: {  	_ =	swait.ge [sflag:s10], $0x4000  }
0x2d: {  	[sflag:s10] =	ssyncset.done $0x0  }
0x2e: {  	s21 =	sadd.s32 $0xFFFFFF80, s19;
	[sflag:s10] =	ssyncadd.s32 $0xFFFFC000  }
0x2f: {  	[tilespmem:s12], [sflag:$0x1] =	stream.indirect.gather [hbm4b:s3+s11], $0x80, s21, s11, $0xb8;
	[tilespmem:$0xD000] =	vst v63  }
0x30: {  	_ =	swait.ge [sflag:s15], $0x4000  }
0x31: {  	[sflag:s15] =	ssyncset.done $0x0  }
.Ltmp0:
0x32: {  	s20 =	sadd.s32 s20, s8;
	[sflag:s15] =	ssyncadd.s32 $0xFFFFC000;
	(pc) =	sbr.rel @p0 .LBB2_2-.Ltmp0, $4  }
0x33: {  	[hbm4b:s20+s2] =	stream.linear.scatter [tilespmem:s13], [sflag:$0x3], $0x4000, $0x38;
	[tilespmem:$0xD000] =	vst v63  }
0x34: {  	_ =	swait.ge [sflag:s10], $0x4000  }
0x35: {  	[sflag:s10] =	ssyncset.done $0x0  }
0x36: {  	s19 =	sadd.s32 $0x100, s19;
	[sflag:s10] =	ssyncadd.s32 $0xFFFFC000  }
0x37: {  	[tilespmem:s13], [sflag:$0x2] =	stream.indirect.gather [hbm4b:s3+s11], $0x80, s17, s11, $0xb8;
	[tilespmem:$0xD000] =	vst v63  }
0x38: {  	_ =	swait.ge [sflag:s14], $0x4000  }
0x39: {  	[sflag:s14] =	ssyncset.done $0x0  }
0x3a: {  	[sflag:s14] =	ssyncadd.s32 $0xFFFFC000  }
0x3b: {  	[hbm4b:s6+s2] =	stream.linear.scatter [tilespmem:s12], [sflag:$0x3], $0x4000, $0x38;
	[tilespmem:$0xD000] =	vst v63  }
0x3c: {  	_ =	swait.ge [sflag:s10], $0x4000  }
0x3d: {  	[sflag:s10] =	ssyncset.done $0x0  }
0x3e: {  	[sflag:s10] =	ssyncadd.s32 $0xFFFFC000  }
0x3f: {  	s16 =	sadd.s32 $0x1, s16;
	_ =	swait.ge [sflag:s15], $0x4000  }
0x40: {  	p0 =	sne.s32 s16, s5;
	[sflag:s15] =	ssyncset.done $0x0  }
.Ltmp1:
0x41: {  	[sflag:s15] =	ssyncadd.s32 $0xFFFFC000;
	(pc) =	sbr.rel @p0 .LBB2_1-.Ltmp1, $4  }
0x42: {  	[hbm4b:s7+s2] =	stream.linear.scatter [tilespmem:s13], [sflag:$0x3], $0x4000, $0x38;
	[tilespmem:$0xD000] =	vst v63  }
0x43: {  	_ =	swait.ge [sflag:s10], $0x4000  }
0x44: {  	[sflag:s10] =	ssyncset.done $0x0  }
0x45: {  	[sflag:s10] =	ssyncadd.s32 $0xFFFFC000  }
0x46: {  	_ =	sfence.sel $0x180000  }
0x47: {  	[bflag:$0x0] =	sbarrier.arrive $0xFFFF  }
0x48: {  	p0 =	sne.s32 s0, $0x0;
	_ =	strace $0x9000004A  }
0x49: {  	s0 =	sadd.s32 @!p0 $0x100000, s1;
	[bflag:$0x2] =	sbarrier.arrive $0xFFFF  }
0x4a: {  	[sflag:s0] =	ssyncadd.tile.s32 @!p0 $0x1;
	_ =	shalt  }
.Lfunc_end2:
_tile_overlayer_lowered:
.L_overlay_start_2:
0x4b: {  	(tag) =	ssettag $0x2  }
0x4c: {  	s0 =	rddreg [dreg:$0x0];
	s2 =	stileid.u32  }
0x4d: {  	s1 =	rddreg [dreg:$0x1];
	p0 =	sne.s32 s2, $0x0  }
0x4e: {  	s3 =	rddreg [dreg:$0x2];
	[bflag:$0x3] =	sbarrier.arrive $0xFFFF;
	s2 =	simm.s32 @!p0 $0x1C03  }
0x4f: {  	[timem:s3], [sflag:s2] =	dma.local @!p0 [hbm:s0], s1  }
0x50: {  	s0 =	simm.s32 @!p0 $0x3  }
0x51: {  	_ =	swait.ge @!p0 [sflag:s0], s1  }
0x52: {  	s1 =	ssub.s32 @!p0 $0x0, s1;
	[sflag:s0] =	ssyncset.done @!p0 $0x0  }
0x53: {  	[sflag:s0] =	ssyncadd.s32 @!p0 s1  }
0x54: {  	[bflag:$0x3] =	sbarrier.arrive $0xFFFF  }
0x55: {  	_ =	shalt  }

// kernel: kernel.7.cloned.1.call-start
scs
__scs_entry_jumppad:
0x0: {  	(pc) =	sbr.rel $0x88, $3  }
0x1: {  	(tag) =	ssettag $0x0;
	lr =	simm.s32 $0x1  }
0x2: {  	[smem:$0x3F97] =	sst lr;
	_ =	strace $0xD0000000  }
0x3: {  	_ = 	snop  }
0x4: {  	_ = 	snop  }
0x5: {  	_ = 	snop  }
0x6: {  	_ = 	snop  }
0x7: {  	_ = 	snop  }
__scs_overlays_trampoline_lowered:
0x8: {  	[smem:$0x3FA6] =	sst s0  }
0x9: {  	[smem:$0x3FA7] =	sst s1  }
0xa: {  	[smem:$0x3FA8] =	sst s2  }
0xb: {  	[smem:$0x3FA9] =	sst s3  }
0xc: {  	[smem:$0x3FAA] =	sst s4  }
0xd: {  	[smem:$0x3FAB] =	sst s5  }
0xe: {  	[smem:$0x3FAC] =	sst s6  }
0xf: {  	[smem:$0x3FAD] =	sst s7  }
0x10: {  	[smem:$0x3FAE] =	sst s8  }
0x11: {  	[smem:$0x3FAF] =	sst s9;
	s0 =	simm.s32 @!p0 $0x0  }
0x12: {  	s1 =	sld [smem:$0x3F95];
	s0 =	simm.s32 @p0 $0x1  }
0x13: {  	[smem:$0x3FB0] =	sst s0;
	s0 =	simm.s32 @!p1 $0x0  }
0x14: {  	s2 =	sld [smem:$0x3F94];
	s0 =	simm.s32 @p1 $0x1  }
0x15: {  	[smem:$0x3FB1] =	sst s0;
	s0 =	simm.s32 @!p2 $0x0  }
0x16: {  	s3 =	sld [smem:$0x3FDB];
	s0 =	simm.s32 @p2 $0x1  }
0x17: {  	s4 =	simm.s32 $0x1BF5;
	[smem:$0x3FB3] =	sst s0  }
0x18: {  	s0 =	sld [smem:$0x3F96];
	_ =	swait.ge [sflag:s4], $0x0  }
0x19: {  	s7 =	sld [smem:$0x3F97]  }
0x1a: {  	s8 =	sadd.s32 $0xFFFFE003, lr  }
0x1b: {  	s9 =	sadd.s32 $0xFFFFFEF7, lr;
	s5 =	simm.s32 $0xFFFFFFFF;
	p2 =	slt.u32 s8, $0xFFFFF086  }
0x1c: {  	p1 =	slt.u32 s9, $0xF7A;
	s5 =	simm.s32 @!p2 $0x0  }
0x1d: {  	s5 =	simm.s32 @p1 $0x1;
	p0 =	seq.s32 s7, s2  }
0x1e: {  	s7 =	smul.u32 @!p0 $0xF7A, s2;
	p2 =	seq.s32 @!p0 s5, $0x0  }
0x1f: {  	s9 =	smul.u32 $0xF7A, s1;
	s8 =	simm.s32 @!p0 $0x1BF5;
	p2 =	por !p2, p0  }
0x20: {  	[sflag:s8] =	ssyncset.s32 @!p0 $0xFFFFF086;
	s6 =	sadd.s32 @!p0 s3, s7;
	s7 =	simm.s32 @!p0 $0x108  }
0x21: {  	s3 =	sadd.s32 s3, s9;
	s6 =	sadd.s32 @!p0 $0x88, s6;
	s7 =	simm.s32 @p2 $0x1082  }
0x22: {  	[simem:s7], [sflag:s8] =	dma.local @!p0 [hbm:s6], $0xF7A  }
0x23: {  	s9 =	sor.u32 $0xD0000000, s2;
	s6 =	simm.s32 $0x108;
	_ =	swait.ge @!p0 [sflag:s8], $0x0  }
0x24: {  	s3 =	sadd.s32 $0x88, s3;
	s6 =	simm.s32 @!p1 $0x1082;
	[sflag:s4] =	ssyncset.s32 $0xFFFFF086  }
0x25: {  	[simem:s6], [sflag:s4] =	dma.local [hbm:s3], $0xF7A  }
0x26: {  	[smem:$0x3F97] =	sst s1;
	(tag) =	ssettag s2;
	_ =	strace s9  }
0x27: {  	s1 =	sld [smem:$0x3FA7]  }
0x28: {  	s2 =	sld [smem:$0x3FA8]  }
0x29: {  	s4 =	sld [smem:$0x3FAA]  }
0x2a: {  	p0 =	seq.s32 s5, $0x0;
	s5 =	sld [smem:$0x3FAB]  }
0x2b: {  	s6 =	sld [smem:$0x3FAC]  }
0x2c: {  	s7 =	sld [smem:$0x3FAD]  }
0x2d: {  	s3 =	simm.s32 $0x108;
	s8 =	sld [smem:$0x3FAE]  }
0x2e: {  	s3 =	simm.s32 @!p0 $0x1082;
	s9 =	sld [smem:$0x3FAF]  }
0x2f: {  	lr =	sadd.s32 s0, s3;
	s0 =	sld [smem:$0x3FA6]  }
0x30: {  	s3 =	sld [smem:$0x3FA9]  }
0x31: {  	[smem:$0x3FB2] =	sst s10  }
0x32: {  	s10 =	sld [smem:$0x3FB0];
	_ =	sdelay $0x3  }
0x33: {  	p0 =	seq.s32 s10, $0x1;
	s10 =	sld [smem:$0x3FB2];
	_ =	sdelay $0x3  }
0x34: {  	[smem:$0x3FB2] =	sst s10  }
0x35: {  	s10 =	sld [smem:$0x3FB1];
	_ =	sdelay $0x3  }
0x36: {  	p1 =	seq.s32 s10, $0x1;
	s10 =	sld [smem:$0x3FB2];
	_ =	sdelay $0x3  }
0x37: {  	[smem:$0x3FB2] =	sst s10  }
0x38: {  	s10 =	sld [smem:$0x3FB3]  }
0x39: {  	_ = 	snop;
	(pc) =	sbr.ind lr, $3  }
0x3a: {  	_ = 	snop  }
0x3b: {  	_ = 	snop  }
0x3c: {  	p2 =	seq.s32 s10, $0x1;
	s10 =	sld [smem:$0x3FB2]  }
0x3d: {  	_ =	shalt  }
0x3e: {  	_ =	shalt  }
0x3f: {  	_ =	shalt  }
0x40: {  	_ =	shalt  }
0x41: {  	_ =	shalt  }
0x42: {  	_ =	shalt  }
0x43: {  	_ =	shalt  }
0x44: {  	_ =	shalt  }
0x45: {  	_ =	shalt  }
0x46: {  	_ =	shalt  }
0x47: {  	_ =	shalt  }
0x48: {  	_ =	shalt  }
0x49: {  	_ =	shalt  }
0x4a: {  	_ =	shalt  }
0x4b: {  	_ =	shalt  }
0x4c: {  	_ =	shalt  }
0x4d: {  	_ =	shalt  }
0x4e: {  	_ =	shalt  }
0x4f: {  	_ =	shalt  }
0x50: {  	_ =	shalt  }
0x51: {  	_ =	shalt  }
0x52: {  	_ =	shalt  }
0x53: {  	_ =	shalt  }
0x54: {  	_ =	shalt  }
0x55: {  	_ =	shalt  }
0x56: {  	_ =	shalt  }
0x57: {  	_ =	shalt  }
0x58: {  	_ =	shalt  }
0x59: {  	_ =	shalt  }
0x5a: {  	_ =	shalt  }
0x5b: {  	_ =	shalt  }
0x5c: {  	_ =	shalt  }
0x5d: {  	_ =	shalt  }
0x5e: {  	_ =	shalt  }
0x5f: {  	_ =	shalt  }
0x60: {  	_ =	shalt  }
0x61: {  	_ =	shalt  }
0x62: {  	_ =	shalt  }
0x63: {  	_ =	shalt  }
0x64: {  	_ =	shalt  }
0x65: {  	_ =	shalt  }
0x66: {  	_ =	shalt  }
0x67: {  	_ =	shalt  }
0x68: {  	_ =	shalt  }
0x69: {  	_ =	shalt  }
0x6a: {  	_ =	shalt  }
0x6b: {  	_ =	shalt  }
0x6c: {  	_ =	shalt  }
0x6d: {  	_ =	shalt  }
0x6e: {  	_ =	shalt  }
0x6f: {  	_ =	shalt  }
0x70: {  	_ =	shalt  }
0x71: {  	_ =	shalt  }
0x72: {  	_ =	shalt  }
0x73: {  	_ =	shalt  }
0x74: {  	_ =	shalt  }
0x75: {  	_ =	shalt  }
0x76: {  	_ =	shalt  }
0x77: {  	_ =	shalt  }
0x78: {  	_ =	shalt  }
0x79: {  	_ =	shalt  }
0x7a: {  	_ =	shalt  }
0x7b: {  	_ =	shalt  }
0x7c: {  	_ =	shalt  }
0x7d: {  	_ =	shalt  }
0x7e: {  	_ =	shalt  }
0x7f: {  	_ =	shalt  }
0x80: {  	_ =	shalt  }
0x81: {  	_ =	shalt  }
0x82: {  	_ =	shalt  }
0x83: {  	_ =	shalt  }
0x84: {  	_ =	shalt  }
0x85: {  	_ =	shalt  }
0x86: {  	_ =	shalt  }
0x87: {  	_ =	shalt  }
.Lfunc_end0:
.L_simem_size_0:
called_computation_lowered:
.L_overlay_start_0:
0x88: {  	s2 =	sld [smem:$0x3FD9]  }
0x89: {  	s3 =	sld [smem:$0x3FFE];
	_ =	sdelay $0x1  }
0x8a: {  	s1 =	srdreg.scid  }
0x8b: {  	s0 =	sand.u32 $0x1, s1  }
0x8c: {  	s17 =	sshll.u32 s0, $0xA;
	s2 =	sadd.s32 s3, s2  }
0x8d: {  	s2 =	sadd.s32 s2, s17  }
0x8e: {  	[smem:$0x3FBE] =	sst s2  }
0x8f: {  	_ = 	snop  }
0x90: {  	s2 =	sld [smem:$0x3FD0];
	(tm) =	ssettm $0x1  }
0x91: {  	s18 =	sld [smem:$0x3FFB];
	_ =	sdelay $0x3  }
0x92: {  	_ =	strace s18  }
0x93: {  	s3 =	sld [smem:$0x3FFC];
	_ =	sdelay $0x3  }
0x94: {  	_ =	strace s3  }
0x95: {  	s3 =	sld [smem:$0x3FFD];
	_ =	sdelay $0x3  }
0x96: {  	_ =	strace s3  }
0x97: {  	_ =	strace $0x8FFFFFFF  }
0x98: {  	s19 =	sld [smem:$0x3FDB];
	_ =	sdelay $0x1  }
0x99: {  	s4 =	simm.s32 $_scs_section_size  }
0x9a: {  	s5 =	simm.s32 $_size__tile_overlayer_lowered;
	s6 =	simm.s32 $_tile_overlayer_lowered  }
0x9b: {  	s22 =	simm.s32 $0x1BFF;
	s21 =	sshll.u32 s6, $0x1;
	s3 =	sadd.s32 s4, s19  }
0x9c: {  	s7 =	simm.s32 $0x0;
	s20 =	sshll.u32 s5, $0x1;
	s5 =	sadd.s32 s21, s3  }
0x9d: {  	[timem:s7], [sflag:s22] =	dma.local [hbm:s5], s20  }
0x9e: {  	_ =	swait.ge [sflag:s22], s20  }
0x9f: {  	s4 =	ssub.s32 $0x0, s20;
	[sflag:s22] =	ssyncset.done $0x0  }
0xa0: {  	[sflag:s22] =	ssyncadd.s32 s4;
	_ =	sdelay $0x1  }
0xa1: {  	s23 =	simm.s32 $0x1B8B  }
0xa2: {  	_ =	swait.ge [sflag:s23], $0x1  }
0xa3: {  	[sflag:s23] =	ssyncset.done $0x0  }
0xa4: {  	s25 =	simm.s32 $0x1B8E;
	s24 =	sld [smem:$0x3FFE];
	[sflag:s23] =	ssyncadd.s32 $0xFFFFFFFF  }
0xa5: {  	s26 =	simm.s32 $execute0_lowered;
	[smem:$0x3FD2] =	sst s25  }
0xa6: {  	s5 =	sshll.u32 s26, $0x1;
	_ =	strace $0x80000046;
	[dreg:$0x1] =	wrdreg $0xFFFFFFFF  }
0xa7: {  	s28 =	simm.s32 $_size_execute0_lowered;
	s3 =	sadd.s32 s3, s5;
	[dreg:$0x0] =	wrdreg $0x0  }
0xa8: {  	s5 =	sshll.u32 s28, $0x1;
	[dreg:$0x2] =	wrdreg s3  }
0xa9: {  	[dreg:$0x3] =	wrdreg s5  }
0xaa: {  	[dreg:$0x4] =	wrdreg $0xC0  }
0xab: {  	_ =	task [dreg:s7], $0x5FFFF  }
0xac: {  	[dreg:$0x1] =	wrdreg $0xFFFFFFFF  }
0xad: {  	[dreg:$0x0] =	wrdreg $0x60  }
0xae: {  	[dreg:$0x2] =	wrdreg s24  }
0xaf: {  	[dreg:$0x3] =	wrdreg s2  }
0xb0: {  	[dreg:$0x4] =	wrdreg $0x101800  }
0xb1: {  	[dreg:$0x5] =	wrdreg $0x104000  }
0xb2: {  	[dreg:$0x6] =	wrdreg $0x106800  }
0xb3: {  	[dreg:$0x7] =	wrdreg $0x109000  }
0xb4: {  	[dreg:$0x8] =	wrdreg $0x10B800  }
0xb5: {  	[dreg:$0x9] =	wrdreg $0x9  }
0xb6: {  	_ =	task.clear_ibuf [dreg:s7], $0xAFFFF;
	_ =	strace $0x90000046  }
0xb7: {  	s29 =	simm.s32 $0x9;
	_ =	strace $0x80000048  }
0xb8: {  	_ =	swait.ge [sflag:s29], $0x1  }
0xb9: {  	[sflag:s29] =	ssyncadd.s32 $0xFFFFFFFF  }
0xba: {  	_ =	strace $0x90000048  }
0xbb: {  	_ =	sfence  }
0xbc: {  	s30 =	sld [smem:$0x0];
	_ =	sdelay $0x2  }
0xbd: {  	s31 =	sshll.u32 s1, $0xD;
	s1 =	sshrl.u32 s1, $0x2  }
0xbe: {  	s3 =	sand.u32 $0x4000, s31;
	s1 =	sadd.s32 s1, s30  }
0xbf: {  	s0 =	sor.u32 s3, s0;
	s1 =	sshll.u32 s1, $0x11  }
0xc0: {  	s0 =	sor.u32 s1, s0  }
0xc1: {  	s0 =	sadd.s32 $0x8F2B, s0  }
0xc2: {  	[sflag:s0] =	ssyncadd.remote.s32 $0x1  }
0xc3: {  	_ =	sfence.sel $0xFFFF  }
0xc4: {  	[dreg:$0x0] =	wrdreg $0xFFFFFFFF;
	(pc) =	sbr.abs _section_cstart, $3  }
0xc5: {  	[dreg:$0x1] =	wrdreg $0xFFFFFFFF  }
0xc6: {  	_ =	task.clear_ibuf [dreg:s7], $0x2FFFF;
	_ =	strace $0x9FFFFFFF  }
0xc7: {  	(tm) =	ssettm $0x7FFFFFFF  }
tec
execute0_lowered:
.L_overlay_start_1:
0x0: {  	(tag) =	ssettag $0x1  }
0x1: {  	s0 =	rddreg [dreg:$0x0]  }
0x2: {  	s4 =	rddreg [dreg:$0x1]  }
0x3: {  	s1 =	rddreg [dreg:$0x2]  }
0x4: {  	s2 =	rddreg [dreg:$0x3]  }
0x5: {  	s3 =	rddreg [dreg:$0x4]  }
0x6: {  	s14 =	rddreg [dreg:$0x5]  }
0x7: {  	s18 =	rddreg [dreg:$0x6];
	s5 =	simm.s32 $0x0;
	s7 =	srdreg.scid  }
0x8: {  	s13 =	stileid.u32;
	s28 =	simm.s32 $0xD480;
	s29 =	simm.s32 $0xA000  }
0x9: {  	s30 =	simm.s32 $0x9E80;
	s31 =	simm.s32 $0x9F00;
	[smem:$0x7FF] =	sst s5  }
0xa: {  	s5 =	sadd.s32 $0xC600, s0;
	s6 =	sadd.s32 $0x2800, s0;
	s16 =	smul.u32 $0x9D0, s13  }
0xb: {  	s8 =	sadd.s32 $0x16400, s0;
	s7 =	sand.u32 $0x1, s7;
	s12 =	smul.u32 $0x1400, s13  }
0xc: {  	s9 =	sadd.s32 $0x20400, s0;
	s11 =	sadd.s32 $0x1E00, s0;
	s15 =	smul.u32 $0x280, s13  }
0xd: {  	s22 =	smul.u32 $0xA00, s13;
	s0 =	sadd.s32 $0x1E10, s0;
	_ =	strace $0x80000047  }
0xe: {  	s10 =	ssub.s32 $0x2, s7;
	[dreg:$0x8] =	wrdreg s11;
	s21 =	sshll.u32 s7, $0x9  }
0xf: {  	p0 =	seq.s32 s7, $0x1;
	[dreg:$0x9] =	wrdreg s0;
	s7 =	simm.s32 $0xA280  }
0x10: {  	s20 =	sshrl.u32 s10, $0x1;
	s23 =	sor.u32 s21, s12;
	s11 =	sadd.s32 s15, s2  }
0x11: {  	s12 =	sadd.s32 s15, s3;
	s14 =	sadd.s32 s15, s14;
	s5 =	smov.u32 @p0 s6  }
0x12: {  	s9 =	smov.u32 @p0 s8;
	s6 =	simm.s32 $0x400;
	s8 =	simm.s32 $0x0  }
0x13: {  	s17 =	ssub.s32 s10, s20;
	s10 =	sadd.s32 s15, s1;
	s24 =	sshrl.u32 s23, $0x3  }
0x14: {  	s15 =	sadd.s32 s15, s18;
	s20 =	sadd.s32 s5, s16;
	s21 =	sadd.s32 s9, s22  }
0x15: {  	s22 =	simm.s32 $0x1;
	s23 =	simm.s32 $0xA500;
	s13 =	sadd.s32 s4, s24  }
0x16: {  	s5 =	simm.s32 $0xFF00;
	s19 =	smax.u32 s17, $0x1;
	s0 =	sadd.s32 $0x10, s13  }
0x17: {  	s24 =	simm.s32 $0x80;
	s25 =	sadd.s32 $0x20, s13;
	[dreg:$0xa] =	wrdreg s0  }
0x18: {  	s4 =	simm.s32 $0xFC80;
	s26 =	sadd.s32 $0x30, s13;
	[dreg:$0xb] =	wrdreg s25  }
0x19: {  	v0 =	vimm.f32 $1.000000000e+00;
	v1 =	vimm.f32 $0.0e+00;
	[dreg:$0xc] =	wrdreg s26;
	s26 =	simm.s32 $0xAC80;
	s0 =	simm.s32 $0x9F80  }
.LBB2_1:
0x1a: {  	s9 =	simm.s32 $0x0  }
0x1b: {  	[tilespmem:s9], [sflag:$0x1] =	stream.linear.gather [hbm4b:s20+s9], $0x4E80, $0x38;
	[tilespmem:$0x10E00] =	vst v63  }
0x1c: {  	_ =	swait.ge [sflag:s22], $0x4E80  }
0x1d: {  	[sflag:s22] =	ssyncset.done $0x0  }
0x1e: {  	s16 =	simm.s32 $0x4E80;
	[sflag:s22] =	ssyncadd.s32 $0xFFFFB180  }
0x1f: {  	[tilespmem:s16], [sflag:$0x1] =	stream.linear.gather [hbm4b:s21+s9], $0x4E80, $0x38;
	[tilespmem:$0x10E00] =	vst v63  }
0x20: {  	_ =	swait.ge [sflag:s22], $0x4E80  }
0x21: {  	[sflag:s22] =	ssyncset.done $0x0  }
0x22: {  	s18 =	simm.s32 $0x100;
	s17 =	rddreg [dreg:$0x8];
	[sflag:s22] =	ssyncadd.s32 $0xFFFFB180  }
0x23: {  	[tilespmem:s26], [sflag:$0x1] =	stream.strided.gather [hbm4b:s17+s24], $0x2800, s18, s24, $0x38;
	[tilespmem:$0x10E00] =	vst v63  }
0x24: {  	_ =	swait.ge [sflag:s22], $0x2800  }
0x25: {  	[sflag:s22] =	ssyncset.done $0x0  }
0x26: {  	s25 =	rddreg [dreg:$0x9];
	[sflag:s22] =	ssyncadd.s32 $0xFFFFD800  }
0x27: {  	[tilespmem:s28], [sflag:$0x1] =	stream.strided.gather [hbm4b:s25+s24], $0x2800, s18, s24, $0x38;
	[tilespmem:$0x10E00] =	vst v63  }
0x28: {  	_ =	swait.ge [sflag:s22], $0x2800  }
0x29: {  	[sflag:s22] =	ssyncset.done $0x0  }
0x2a: {  	[sflag:s22] =	ssyncadd.s32 $0xFFFFD800  }
0x2b: {  	[tilespmem:$0x9F80] =	vst v0  }
0x2c: {  	[tilespmem:$0x9F90] =	vst v0  }
0x2d: {  	[tilespmem:$0x9FA0] =	vst v0  }
0x2e: {  	[tilespmem:$0x9FB0] =	vst v0  }
0x2f: {  	[tilespmem:$0x9FC0] =	vst v0  }
0x30: {  	[tilespmem:$0x9FD0] =	vst v0  }
0x31: {  	[tilespmem:$0x9FE0] =	vst v0  }
0x32: {  	[tilespmem:$0x9FF0] =	vst v0  }
0x33: {  	[tilespmem:$0xA000] =	vst v1  }
0x34: {  	[tilespmem:$0xA010] =	vst v1  }
0x35: {  	[tilespmem:$0xA020] =	vst v1  }
0x36: {  	[tilespmem:$0xA030] =	vst v1  }
0x37: {  	[tilespmem:$0xA040] =	vst v1  }
0x38: {  	[tilespmem:$0xA050] =	vst v1  }
0x39: {  	[tilespmem:$0xA060] =	vst v1  }
0x3a: {  	[tilespmem:$0xA070] =	vst v1  }
0x3b: {  	[tilespmem:$0xA080] =	vst v1  }
0x3c: {  	[tilespmem:$0xA090] =	vst v1  }
0x3d: {  	[tilespmem:$0xA0A0] =	vst v1  }
0x3e: {  	[tilespmem:$0xA0B0] =	vst v1  }
0x3f: {  	[tilespmem:$0xA0C0] =	vst v1  }
0x40: {  	[tilespmem:$0xA0D0] =	vst v1  }
0x41: {  	[tilespmem:$0xA0E0] =	vst v1  }
0x42: {  	[tilespmem:$0xA0F0] =	vst v1  }
0x43: {  	[tilespmem:$0xA100] =	vst v1  }
0x44: {  	[tilespmem:$0xA110] =	vst v1  }
0x45: {  	[tilespmem:$0xA120] =	vst v1  }
0x46: {  	[tilespmem:$0xA130] =	vst v1  }
0x47: {  	[tilespmem:$0xA140] =	vst v1  }
0x48: {  	[tilespmem:$0xA150] =	vst v1  }
0x49: {  	[tilespmem:$0xA160] =	vst v1  }
0x4a: {  	[tilespmem:$0xA170] =	vst v1  }
0x4b: {  	[tilespmem:$0xA180] =	vst v1  }
0x4c: {  	[tilespmem:$0xA190] =	vst v1  }
0x4d: {  	[tilespmem:$0xA1A0] =	vst v1  }
0x4e: {  	[tilespmem:$0xA1B0] =	vst v1  }
0x4f: {  	[tilespmem:$0xA1C0] =	vst v1  }
0x50: {  	[tilespmem:$0xA1D0] =	vst v1  }
0x51: {  	[tilespmem:$0xA1E0] =	vst v1  }
0x52: {  	[tilespmem:$0xA1F0] =	vst v1  }
0x53: {  	[tilespmem:$0xA200] =	vst v1  }
0x54: {  	[tilespmem:$0xA210] =	vst v1  }
0x55: {  	[tilespmem:$0xA220] =	vst v1  }
0x56: {  	[tilespmem:$0xA230] =	vst v1  }
0x57: {  	[tilespmem:$0xA240] =	vst v1  }
0x58: {  	[tilespmem:$0xA250] =	vst v1  }
0x59: {  	[tilespmem:$0xA260] =	vst v1  }
0x5a: {  	[tilespmem:$0xA270] =	vst v1  }
0x5b: {  	[spmem:s10] =	stream.linear.scatter [tilespmem:s29], [sflag:$0x1], $0x280, $0x38;
	[tilespmem:$0x10E00] =	vst v63  }
0x5c: {  	_ =	swait.ge [sflag:s22], $0x280  }
0x5d: {  	[sflag:s22] =	ssyncset.done $0x0  }
0x5e: {  	[sflag:s22] =	ssyncadd.s32 $0xFFFFFD80  }
0x5f: {  	[spmem:s11] =	stream.linear.scatter [tilespmem:s29], [sflag:$0x1], $0x280, $0x38;
	[tilespmem:$0x10E00] =	vst v63  }
0x60: {  	_ =	swait.ge [sflag:s22], $0x280  }
0x61: {  	[sflag:s22] =	ssyncset.done $0x0  }
0x62: {  	[sflag:s22] =	ssyncadd.s32 $0xFFFFFD80  }
0x63: {  	[spmem:s12] =	stream.linear.scatter [tilespmem:s29], [sflag:$0x1], $0x280, $0x38;
	[tilespmem:$0x10E00] =	vst v63  }
0x64: {  	_ =	swait.ge [sflag:s22], $0x280  }
0x65: {  	[sflag:s22] =	ssyncset.done $0x0  }
0x66: {  	[sflag:s22] =	ssyncadd.s32 $0xFFFFFD80  }
0x67: {  	s9 =	simm.s32 $0x0;
	[bflag:$0x0] =	sbarrier.arrive $0xFFFF  }
.LBB2_2:
0x68: {  	s16 =	sshra.s32 s9, $0x2  }
0x69: {  	v2 =	vld [tilespmem:s16+$0x0];
	_ =	sdelay $0x7  }
0x6a: {  	v3 =	vld.idx.msk [tilespmem:v2+s26+$0x0], $0xffff;
	_ =	sdelay $0x4  }
0x6b: {  	[tilespmem:$0x9E80] =	vst v3  }
0x6c: {  	v2 =	vld.idx.msk [tilespmem:v2+s28+$0x0], $0xffff;
	_ =	sdelay $0x4  }
0x6d: {  	[tilespmem:$0x9F00] =	vst v2  }
0x6e: {  	v2 =	vld [tilespmem:s16+$0x10];
	_ =	sdelay $0x7  }
0x6f: {  	v3 =	vld.idx.msk [tilespmem:v2+s26+$0x0], $0xffff;
	_ =	sdelay $0x4  }
0x70: {  	[tilespmem:$0x9E90] =	vst v3  }
0x71: {  	v2 =	vld.idx.msk [tilespmem:v2+s28+$0x0], $0xffff;
	_ =	sdelay $0x4  }
0x72: {  	[tilespmem:$0x9F10] =	vst v2  }
0x73: {  	v2 =	vld [tilespmem:s16+$0x20];
	_ =	sdelay $0x7  }
0x74: {  	v3 =	vld.idx.msk [tilespmem:v2+s26+$0x0], $0xffff;
	_ =	sdelay $0x4  }
0x75: {  	[tilespmem:$0x9EA0] =	vst v3  }
0x76: {  	v2 =	vld.idx.msk [tilespmem:v2+s28+$0x0], $0xffff;
	_ =	sdelay $0x4  }
0x77: {  	[tilespmem:$0x9F20] =	vst v2  }
0x78: {  	v2 =	vld [tilespmem:s16+$0x30];
	_ =	sdelay $0x7  }
0x79: {  	v3 =	vld.idx.msk [tilespmem:v2+s26+$0x0], $0xffff;
	_ =	sdelay $0x4  }
0x7a: {  	[tilespmem:$0x9EB0] =	vst v3  }
0x7b: {  	v2 =	vld.idx.msk [tilespmem:v2+s28+$0x0], $0xffff;
	_ =	sdelay $0x4  }
0x7c: {  	[tilespmem:$0x9F30] =	vst v2  }
0x7d: {  	v2 =	vld [tilespmem:s16+$0x40];
	_ =	sdelay $0x7  }
0x7e: {  	v3 =	vld.idx.msk [tilespmem:v2+s26+$0x0], $0xffff;
	_ =	sdelay $0x4  }
0x7f: {  	[tilespmem:$0x9EC0] =	vst v3  }
0x80: {  	v2 =	vld.idx.msk [tilespmem:v2+s28+$0x0], $0xffff;
	_ =	sdelay $0x4  }
0x81: {  	[tilespmem:$0x9F40] =	vst v2  }
0x82: {  	v2 =	vld [tilespmem:s16+$0x50];
	_ =	sdelay $0x7  }
0x83: {  	v3 =	vld.idx.msk [tilespmem:v2+s26+$0x0], $0xffff;
	_ =	sdelay $0x4  }
0x84: {  	[tilespmem:$0x9ED0] =	vst v3  }
0x85: {  	v2 =	vld.idx.msk [tilespmem:v2+s28+$0x0], $0xffff;
	_ =	sdelay $0x4  }
0x86: {  	[tilespmem:$0x9F50] =	vst v2  }
0x87: {  	v2 =	vld [tilespmem:s16+$0x60];
	_ =	sdelay $0x7  }
0x88: {  	v3 =	vld.idx.msk [tilespmem:v2+s26+$0x0], $0xffff;
	_ =	sdelay $0x4  }
0x89: {  	[tilespmem:$0x9EE0] =	vst v3  }
0x8a: {  	v2 =	vld.idx.msk [tilespmem:v2+s28+$0x0], $0xffff;
	_ =	sdelay $0x4  }
0x8b: {  	[tilespmem:$0x9F60] =	vst v2  }
0x8c: {  	v2 =	vld [tilespmem:s16+$0x70];
	_ =	sdelay $0x7  }
0x8d: {  	v3 =	vld.idx.msk [tilespmem:v2+s26+$0x0], $0xffff;
	_ =	sdelay $0x4  }
0x8e: {  	[tilespmem:$0x9EF0] =	vst v3  }
0x8f: {  	v2 =	vld.idx.msk [tilespmem:v2+s28+$0x0], $0xffff;
	_ =	sdelay $0x4  }
0x90: {  	s16 =	sadd.s32 $0x4E80, s16;
	[tilespmem:$0x9F70] =	vst v2  }
0x91: {  	[spmem:s1] =	stream.indirect.scatter.add.f32 [tilespmem:s30], [sflag:$0x1], $0x1, s16, s24, $0xb8;
	[tilespmem:$0x10E00] =	vst v63  }
0x92: {  	_ =	swait.ge [sflag:s22], $0x80  }
0x93: {  	[sflag:s22] =	ssyncset.done $0x0  }
0x94: {  	[sflag:s22] =	ssyncadd.s32 $0xFFFFFF80  }
0x95: {  	[spmem:s2] =	stream.indirect.scatter.add.f32 [tilespmem:s31], [sflag:$0x1], $0x1, s16, s24, $0xb8;
	[tilespmem:$0x10E00] =	vst v63  }
0x96: {  	_ =	swait.ge [sflag:s22], $0x80  }
0x97: {  	p0 =	sne.s32 s9, $0x13800;
	[sflag:s22] =	ssyncset.done $0x0  }
.Ltmp0:
0x98: {  	[sflag:s22] =	ssyncadd.s32 $0xFFFFFF80;
	(pc) =	sbr.rel @p0 .LBB2_2-.Ltmp0, $4  }
0x99: {  	[spmem:s3] =	stream.indirect.scatter.add.f32 [tilespmem:s0], [sflag:$0x1], $0x1, s16, s24, $0xb8;
	[tilespmem:$0x10E00] =	vst v63  }
0x9a: {  	_ =	swait.ge [sflag:s22], $0x80  }
0x9b: {  	[sflag:s22] =	ssyncset.done $0x0  }
0x9c: {  	s9 =	sadd.s32 $0x200, s9;
	[sflag:s22] =	ssyncadd.s32 $0xFFFFFF80  }
0x9d: {  	[bflag:$0x0] =	sbarrier.arrive $0xFFFF  }
0x9e: {  	[tilespmem:s7], [sflag:$0x1] =	stream.linear.gather [spmem:s10], $0x280, $0x38;
	[tilespmem:$0x10E00] =	vst v63  }
0x9f: {  	_ =	swait.ge [sflag:s22], $0x280  }
0xa0: {  	[sflag:s22] =	ssyncset.done $0x0  }
0xa1: {  	[sflag:s22] =	ssyncadd.s32 $0xFFFFFD80  }
0xa2: {  	[tilespmem:s23], [sflag:$0x1] =	stream.linear.gather [spmem:s11], $0x280, $0x38;
	[tilespmem:$0x10E00] =	vst v63  }
0xa3: {  	_ =	swait.ge [sflag:s22], $0x280  }
0xa4: {  	[sflag:s22] =	ssyncset.done $0x0  }
0xa5: {  	[sflag:s22] =	ssyncadd.s32 $0xFFFFFD80  }
0xa6: {  	[spmem:s10] =	stream.linear.scatter [tilespmem:s29], [sflag:$0x1], $0x280, $0x38;
	[tilespmem:$0x10E00] =	vst v63  }
0xa7: {  	_ =	swait.ge [sflag:s22], $0x280  }
0xa8: {  	[sflag:s22] =	ssyncset.done $0x0  }
0xa9: {  	[sflag:s22] =	ssyncadd.s32 $0xFFFFFD80  }
0xaa: {  	[spmem:s11] =	stream.linear.scatter [tilespmem:s29], [sflag:$0x1], $0x280, $0x38;
	[tilespmem:$0x10E00] =	vst v63  }
0xab: {  	_ =	swait.ge [sflag:s22], $0x280  }
0xac: {  	[sflag:s22] =	ssyncset.done $0x0  }
0xad: {  	s9 =	simm.s32 $0xA780;
	[sflag:s22] =	ssyncadd.s32 $0xFFFFFD80  }
0xae: {  	[tilespmem:s9], [sflag:$0x1] =	stream.linear.gather [spmem:s12], $0x280, $0x38;
	[tilespmem:$0x10E00] =	vst v63  }
0xaf: {  	_ =	swait.ge [sflag:s22], $0x280  }
0xb0: {  	[sflag:s22] =	ssyncset.done $0x0  }
0xb1: {  	s9 =	simm.s32 $0x0;
	[sflag:s22] =	ssyncadd.s32 $0xFFFFFD80  }
0xb2: {  	s16 =	simm.s32 $0x40;
	s17 =	simm.s32 $0x0;
	v2 =	vld [tilespmem:s9+$0xA780]  }
.LBB2_4:
0xb3: {  	p0 =	sne.s32 s16, $0x9C0  }
.Ltmp1:
0xb4: {  	_ = 	snop;
	(pc) =	sbr.rel @p0 .LBB2_4-.Ltmp1, $3  }
0xb5: {  	_ =	sdelay $0x1  }
0xb6: {  	s18 =	sshra.s32 s16, $0x2;
	s16 =	sadd.s32 $0x40, s16;
	v3 =	vmax.f32 v2, $1.000000000e+00  }
0xb7: {  	v2 =	vld [tilespmem:s18+$0xA780];
	[tilespmem:s17+$0xAA00] =	vst v3;
	s17 =	smov.u32 s18  }
0xb8: {  	_ =	sdelay $0x3  }
0xb9: {  	v2 =	vmax.f32 v2, $1.000000000e+00  }
0xba: {  	[tilespmem:s17+$0xAA00] =	vst v2  }
0xbb: {  	v2 =	vld [tilespmem:s9+$0xAA00];
	_ =	sdelay $0x4  }
0xbc: {  	s16 =	simm.s32 $0x10;
	(erf) = vrcp.f32 v2  }
0xbd: {  	v3 =	vld [tilespmem:s16+$0xAA00];
	_ =	sdelay $0x3  }
0xbe: {  	v7 =	vld [tilespmem:s9+$0xA500]  }
0xbf: {  	s17 =	simm.s32 $0x20;
	v5 =	vld [tilespmem:s9+$0xA280];
	(erf) = vrcp.f32 v3  }
0xc0: {  	v4 =	vld [tilespmem:s17+$0xAA00]  }
0xc1: {  	v3 =	vld [tilespmem:s17+$0xA280]  }
0xc2: {  	v8 =	vpop (erf)  }
0xc3: {  	v2 =	vld [tilespmem:s16+$0xA280];
	v7 =	vmul.f32 v8, v7  }
0xc4: {  	s18 =	simm.s32 $0xC0;
	v6 =	vmul.f32 v8, v5;
	v5 =	vld [tilespmem:s16+$0xA500]  }
.LBB2_6:
0xc5: {  	s25 =	sshra.s32 s18, $0x2;
	p0 =	sne.s32 s18, $0x9C0;
	s18 =	sadd.s32 $0x40, s18;
	(erf) = vrcp.f32 v4;
	[tilespmem:s9+$0xFF00] =	vst v7  }
.Ltmp2:
0xc6: {  	v4 =	vld [tilespmem:s25+$0xAA00];
	[tilespmem:s9+$0xFC80] =	vst v6;
	v8 =	vmov v3;
	s9 =	smov.u32 s16;
	s16 =	smov.u32 s17;
	(pc) =	sbr.rel @p0 .LBB2_6-.Ltmp2, $4  }
0xc7: {  	s17 =	smov.u32 s25;
	v3 =	vld [tilespmem:s25+$0xA280]  }
0xc8: {  	v7 =	vpop (erf)  }
0xc9: {  	v6 =	vmul.f32 v7, v2;
	v7 =	vmul.f32 v7, v5;
	v2 =	vmov v8  }
0xca: {  	v5 =	vld [tilespmem:s16+$0xA500]  }
0xcb: {  	(erf) = vrcp.f32 v4;
	_ =	sdelay $0x2  }
0xcc: {  	[tilespmem:s9+$0xFF00] =	vst v7  }
0xcd: {  	[tilespmem:s9+$0xFC80] =	vst v6  }
0xce: {  	v61 =	vld [tilespmem:s17+$0xA500];
	_ =	sdelay $0x1  }
0xcf: {  	v62 =	vpop (erf)  }
0xd0: {  	v5 =	vmul.f32 v62, v5  }
0xd1: {  	v2 =	vmul.f32 v62, v2;
	v63 =	vpop (erf)  }
0xd2: {  	[tilespmem:s16+$0xFF00] =	vst v5;
	v4 =	vmul.f32 v63, v61  }
0xd3: {  	[tilespmem:s16+$0xFC80] =	vst v2;
	v2 =	vmul.f32 v63, v3  }
0xd4: {  	[tilespmem:s17+$0xFF00] =	vst v4  }
0xd5: {  	[tilespmem:s17+$0xFC80] =	vst v2  }
0xd6: {  	[spmem:s14] =	stream.linear.scatter [tilespmem:s4], [sflag:$0x1], $0x280, $0x38;
	[tilespmem:$0x10E00] =	vst v63  }
0xd7: {  	_ =	swait.ge [sflag:s22], $0x280  }
0xd8: {  	[sflag:s22] =	ssyncset.done $0x0  }
0xd9: {  	[sflag:s22] =	ssyncadd.s32 $0xFFFFFD80  }
0xda: {  	[spmem:s15] =	stream.linear.scatter [tilespmem:s5], [sflag:$0x1], $0x280, $0x38;
	[tilespmem:$0x10E00] =	vst v63  }
0xdb: {  	_ =	swait.ge [sflag:s22], $0x280  }
0xdc: {  	[sflag:s22] =	ssyncset.done $0x0  }
0xdd: {  	[sflag:s22] =	ssyncadd.s32 $0xFFFFFD80  }
0xde: {  	[hbm4b:s13+s24] =	stream.strided.scatter [tilespmem:s4], [sflag:$0x1], $0x280, s6, s24, $0x38;
	[tilespmem:$0x10E00] =	vst v63  }
0xdf: {  	_ =	swait.ge [sflag:s22], $0x280  }
0xe0: {  	[sflag:s22] =	ssyncset.done $0x0  }
0xe1: {  	s17 =	rddreg [dreg:$0xa];
	[sflag:s22] =	ssyncadd.s32 $0xFFFFFD80  }
0xe2: {  	[hbm4b:s17+s24] =	stream.strided.scatter [tilespmem:s5], [sflag:$0x1], $0x280, s6, s24, $0x38;
	[tilespmem:$0x10E00] =	vst v63  }
0xe3: {  	_ =	swait.ge [sflag:s22], $0x280  }
0xe4: {  	[sflag:s22] =	ssyncset.done $0x0  }
0xe5: {  	[sflag:s22] =	ssyncadd.s32 $0xFFFFFD80  }
0xe6: {  	[bflag:$0x0] =	sbarrier.arrive $0xFFFF  }
0xe7: {  	s18 =	rddreg [dreg:$0x5]  }
0xe8: {  	[tilespmem:s26], [sflag:$0x1] =	stream.linear.gather [spmem:s18], $0x2800, $0x38;
	[tilespmem:$0x10E00] =	vst v63  }
0xe9: {  	_ =	swait.ge [sflag:s22], $0x2800  }
0xea: {  	[sflag:s22] =	ssyncset.done $0x0  }
0xeb: {  	[sflag:s22] =	ssyncadd.s32 $0xFFFFD800  }
0xec: {  	s25 =	rddreg [dreg:$0x6]  }
0xed: {  	[tilespmem:s28], [sflag:$0x1] =	stream.linear.gather [spmem:s25], $0x2800, $0x38;
	[tilespmem:$0x10E00] =	vst v63  }
0xee: {  	_ =	swait.ge [sflag:s22], $0x2800  }
0xef: {  	[sflag:s22] =	ssyncset.done $0x0  }
0xf0: {  	s9 =	simm.s32 $0x0;
	[sflag:s22] =	ssyncadd.s32 $0xFFFFD800  }
.LBB2_8:
0xf1: {  	s16 =	sshra.s32 s9, $0x2  }
0xf2: {  	v2 =	vld [tilespmem:s16+$0x0];
	_ =	sdelay $0x7  }
0xf3: {  	v3 =	vld.idx.msk [tilespmem:v2+s26+$0x0], $0xffff;
	_ =	sdelay $0x4  }
0xf4: {  	[tilespmem:$0x9E80] =	vst v3  }
0xf5: {  	v2 =	vld.idx.msk [tilespmem:v2+s28+$0x0], $0xffff;
	_ =	sdelay $0x4  }
0xf6: {  	[tilespmem:$0x9F00] =	vst v2  }
0xf7: {  	v2 =	vld [tilespmem:s16+$0x10];
	_ =	sdelay $0x7  }
0xf8: {  	v3 =	vld.idx.msk [tilespmem:v2+s26+$0x0], $0xffff;
	_ =	sdelay $0x4  }
0xf9: {  	[tilespmem:$0x9E90] =	vst v3  }
0xfa: {  	v2 =	vld.idx.msk [tilespmem:v2+s28+$0x0], $0xffff;
	_ =	sdelay $0x4  }
0xfb: {  	[tilespmem:$0x9F10] =	vst v2  }
0xfc: {  	v2 =	vld [tilespmem:s16+$0x20];
	_ =	sdelay $0x7  }
0xfd: {  	v3 =	vld.idx.msk [tilespmem:v2+s26+$0x0], $0xffff;
	_ =	sdelay $0x4  }
0xfe: {  	[tilespmem:$0x9EA0] =	vst v3  }
0xff: {  	v2 =	vld.idx.msk [tilespmem:v2+s28+$0x0], $0xffff;
	_ =	sdelay $0x4  }
0x100: {  	[tilespmem:$0x9F20] =	vst v2  }
0x101: {  	v2 =	vld [tilespmem:s16+$0x30];
	_ =	sdelay $0x7  }
0x102: {  	v3 =	vld.idx.msk [tilespmem:v2+s26+$0x0], $0xffff;
	_ =	sdelay $0x4  }
0x103: {  	[tilespmem:$0x9EB0] =	vst v3  }
0x104: {  	v2 =	vld.idx.msk [tilespmem:v2+s28+$0x0], $0xffff;
	_ =	sdelay $0x4  }
0x105: {  	[tilespmem:$0x9F30] =	vst v2  }
0x106: {  	v2 =	vld [tilespmem:s16+$0x40];
	_ =	sdelay $0x7  }
0x107: {  	v3 =	vld.idx.msk [tilespmem:v2+s26+$0x0], $0xffff;
	_ =	sdelay $0x4  }
0x108: {  	[tilespmem:$0x9EC0] =	vst v3  }
0x109: {  	v2 =	vld.idx.msk [tilespmem:v2+s28+$0x0], $0xffff;
	_ =	sdelay $0x4  }
0x10a: {  	[tilespmem:$0x9F40] =	vst v2  }
0x10b: {  	v2 =	vld [tilespmem:s16+$0x50];
	_ =	sdelay $0x7  }
0x10c: {  	v3 =	vld.idx.msk [tilespmem:v2+s26+$0x0], $0xffff;
	_ =	sdelay $0x4  }
0x10d: {  	[tilespmem:$0x9ED0] =	vst v3  }
0x10e: {  	v2 =	vld.idx.msk [tilespmem:v2+s28+$0x0], $0xffff;
	_ =	sdelay $0x4  }
0x10f: {  	[tilespmem:$0x9F50] =	vst v2  }
0x110: {  	v2 =	vld [tilespmem:s16+$0x60];
	_ =	sdelay $0x7  }
0x111: {  	v3 =	vld.idx.msk [tilespmem:v2+s26+$0x0], $0xffff;
	_ =	sdelay $0x4  }
0x112: {  	[tilespmem:$0x9EE0] =	vst v3  }
0x113: {  	v2 =	vld.idx.msk [tilespmem:v2+s28+$0x0], $0xffff;
	_ =	sdelay $0x4  }
0x114: {  	[tilespmem:$0x9F60] =	vst v2  }
0x115: {  	v2 =	vld [tilespmem:s16+$0x70];
	_ =	sdelay $0x7  }
0x116: {  	v3 =	vld.idx.msk [tilespmem:v2+s26+$0x0], $0xffff;
	_ =	sdelay $0x4  }
0x117: {  	[tilespmem:$0x9EF0] =	vst v3  }
0x118: {  	v2 =	vld.idx.msk [tilespmem:v2+s28+$0x0], $0xffff;
	_ =	sdelay $0x4  }
0x119: {  	s16 =	sadd.s32 $0x4E80, s16;
	[tilespmem:$0x9F70] =	vst v2  }
0x11a: {  	[spmem:s1] =	stream.indirect.scatter.add.f32 [tilespmem:s30], [sflag:$0x1], $0x1, s16, s24, $0xb8;
	[tilespmem:$0x10E00] =	vst v63  }
0x11b: {  	_ =	swait.ge [sflag:s22], $0x80  }
0x11c: {  	p0 =	sne.s32 s9, $0x13800;
	[sflag:s22] =	ssyncset.done $0x0  }
.Ltmp3:
0x11d: {  	[sflag:s22] =	ssyncadd.s32 $0xFFFFFF80;
	(pc) =	sbr.rel @p0 .LBB2_8-.Ltmp3, $4  }
0x11e: {  	[spmem:s2] =	stream.indirect.scatter.add.f32 [tilespmem:s31], [sflag:$0x1], $0x1, s16, s24, $0xb8;
	[tilespmem:$0x10E00] =	vst v63  }
0x11f: {  	_ =	swait.ge [sflag:s22], $0x80  }
0x120: {  	[sflag:s22] =	ssyncset.done $0x0  }
0x121: {  	s9 =	sadd.s32 $0x200, s9;
	[sflag:s22] =	ssyncadd.s32 $0xFFFFFF80  }
0x122: {  	[bflag:$0x0] =	sbarrier.arrive $0xFFFF  }
0x123: {  	[tilespmem:s7], [sflag:$0x1] =	stream.linear.gather [spmem:s10], $0x280, $0x38;
	[tilespmem:$0x10E00] =	vst v63  }
0x124: {  	_ =	swait.ge [sflag:s22], $0x280  }
0x125: {  	[sflag:s22] =	ssyncset.done $0x0  }
0x126: {  	[sflag:s22] =	ssyncadd.s32 $0xFFFFFD80  }
0x127: {  	[tilespmem:s23], [sflag:$0x1] =	stream.linear.gather [spmem:s11], $0x280, $0x38;
	[tilespmem:$0x10E00] =	vst v63  }
0x128: {  	_ =	swait.ge [sflag:s22], $0x280  }
0x129: {  	[sflag:s22] =	ssyncset.done $0x0  }
0x12a: {  	[sflag:s22] =	ssyncadd.s32 $0xFFFFFD80  }
0x12b: {  	[spmem:s10] =	stream.linear.scatter [tilespmem:s29], [sflag:$0x1], $0x280, $0x38;
	[tilespmem:$0x10E00] =	vst v63  }
0x12c: {  	_ =	swait.ge [sflag:s22], $0x280  }
0x12d: {  	[sflag:s22] =	ssyncset.done $0x0  }
0x12e: {  	[sflag:s22] =	ssyncadd.s32 $0xFFFFFD80  }
0x12f: {  	[spmem:s11] =	stream.linear.scatter [tilespmem:s29], [sflag:$0x1], $0x280, $0x38;
	[tilespmem:$0x10E00] =	vst v63  }
0x130: {  	_ =	swait.ge [sflag:s22], $0x280  }
0x131: {  	[sflag:s22] =	ssyncset.done $0x0  }
0x132: {  	s17 =	simm.s32 $0x0;
	[sflag:s22] =	ssyncadd.s32 $0xFFFFFD80  }
0x133: {  	v2 =	vld [tilespmem:s17+$0xAA00];
	_ =	sdelay $0x4  }
0x134: {  	s9 =	simm.s32 $0x10;
	(erf) = vrcp.f32 v2  }
0x135: {  	v3 =	vld [tilespmem:s9+$0xAA00];
	_ =	sdelay $0x3  }
0x136: {  	v7 =	vld [tilespmem:s17+$0xA500]  }
0x137: {  	s16 =	simm.s32 $0x20;
	v5 =	vld [tilespmem:s17+$0xA280];
	(erf) = vrcp.f32 v3  }
0x138: {  	v4 =	vld [tilespmem:s16+$0xAA00]  }
0x139: {  	v3 =	vld [tilespmem:s16+$0xA280]  }
0x13a: {  	v8 =	vpop (erf)  }
0x13b: {  	v2 =	vld [tilespmem:s9+$0xA280];
	v7 =	vmul.f32 v8, v7  }
0x13c: {  	s18 =	simm.s32 $0xC0;
	v6 =	vmul.f32 v8, v5;
	v5 =	vld [tilespmem:s9+$0xA500]  }
.LBB2_10:
0x13d: {  	s25 =	sshra.s32 s18, $0x2;
	p0 =	sne.s32 s18, $0x9C0;
	s18 =	sadd.s32 $0x40, s18;
	(erf) = vrcp.f32 v4;
	[tilespmem:s17+$0xFF00] =	vst v7  }
.Ltmp4:
0x13e: {  	v4 =	vld [tilespmem:s25+$0xAA00];
	[tilespmem:s17+$0xFC80] =	vst v6;
	v8 =	vmov v3;
	s17 =	smov.u32 s9;
	s9 =	smov.u32 s16;
	(pc) =	sbr.rel @p0 .LBB2_10-.Ltmp4, $4  }
0x13f: {  	s16 =	smov.u32 s25;
	v3 =	vld [tilespmem:s25+$0xA280]  }
0x140: {  	v7 =	vpop (erf)  }
0x141: {  	v6 =	vmul.f32 v7, v2;
	v7 =	vmul.f32 v7, v5;
	v2 =	vmov v8  }
0x142: {  	v5 =	vld [tilespmem:s9+$0xA500]  }
0x143: {  	(erf) = vrcp.f32 v4;
	_ =	sdelay $0x2  }
0x144: {  	[tilespmem:s17+$0xFF00] =	vst v7  }
0x145: {  	[tilespmem:s17+$0xFC80] =	vst v6  }
0x146: {  	v61 =	vld [tilespmem:s16+$0xA500];
	_ =	sdelay $0x1  }
0x147: {  	v62 =	vpop (erf)  }
0x148: {  	v5 =	vmul.f32 v62, v5  }
0x149: {  	v2 =	vmul.f32 v62, v2;
	v63 =	vpop (erf)  }
0x14a: {  	[tilespmem:s9+$0xFF00] =	vst v5;
	v4 =	vmul.f32 v63, v61  }
0x14b: {  	[tilespmem:s9+$0xFC80] =	vst v2;
	v2 =	vmul.f32 v63, v3  }
0x14c: {  	[tilespmem:s16+$0xFF00] =	vst v4  }
0x14d: {  	[tilespmem:s16+$0xFC80] =	vst v2  }
0x14e: {  	[spmem:s14] =	stream.linear.scatter [tilespmem:s4], [sflag:$0x1], $0x280, $0x38;
	[tilespmem:$0x10E00] =	vst v63  }
0x14f: {  	_ =	swait.ge [sflag:s22], $0x280  }
0x150: {  	[sflag:s22] =	ssyncset.done $0x0  }
0x151: {  	[sflag:s22] =	ssyncadd.s32 $0xFFFFFD80  }
0x152: {  	[spmem:s15] =	stream.linear.scatter [tilespmem:s5], [sflag:$0x1], $0x280, $0x38;
	[tilespmem:$0x10E00] =	vst v63  }
0x153: {  	_ =	swait.ge [sflag:s22], $0x280  }
0x154: {  	[sflag:s22] =	ssyncset.done $0x0  }
0x155: {  	s16 =	rddreg [dreg:$0xb];
	[sflag:s22] =	ssyncadd.s32 $0xFFFFFD80  }
0x156: {  	[hbm4b:s16+s24] =	stream.strided.scatter [tilespmem:s4], [sflag:$0x1], $0x280, s6, s24, $0x38;
	[tilespmem:$0x10E00] =	vst v63  }
0x157: {  	_ =	swait.ge [sflag:s22], $0x280  }
0x158: {  	[sflag:s22] =	ssyncset.done $0x0  }
0x159: {  	s17 =	rddreg [dreg:$0xc];
	[sflag:s22] =	ssyncadd.s32 $0xFFFFFD80  }
0x15a: {  	[hbm4b:s17+s24] =	stream.strided.scatter [tilespmem:s5], [sflag:$0x1], $0x280, s6, s24, $0x38;
	[tilespmem:$0x10E00] =	vst v63  }
0x15b: {  	_ =	swait.ge [sflag:s22], $0x280  }
0x15c: {  	[sflag:s22] =	ssyncset.done $0x0  }
0x15d: {  	[sflag:s22] =	ssyncadd.s32 $0xFFFFFD80  }
0x15e: {  	[bflag:$0x0] =	sbarrier.arrive $0xFFFF  }
0x15f: {  	s18 =	rddreg [dreg:$0x5]  }
0x160: {  	[tilespmem:s26], [sflag:$0x1] =	stream.linear.gather [spmem:s18], $0x2800, $0x38;
	[tilespmem:$0x10E00] =	vst v63  }
0x161: {  	_ =	swait.ge [sflag:s22], $0x2800  }
0x162: {  	s8 =	sadd.s32 $0x1, s8;
	[sflag:s22] =	ssyncset.done $0x0  }
0x163: {  	p0 =	sne.s32 s8, s19;
	[sflag:s22] =	ssyncadd.s32 $0xFFFFD800  }
.Ltmp5:
0x164: {  	s25 =	rddreg [dreg:$0x6];
	(pc) =	sbr.rel @p0 .LBB2_1-.Ltmp5, $4  }
0x165: {  	[tilespmem:s28], [sflag:$0x1] =	stream.linear.gather [spmem:s25], $0x2800, $0x38;
	[tilespmem:$0x10E00] =	vst v63  }
0x166: {  	_ =	swait.ge [sflag:s22], $0x2800  }
0x167: {  	[sflag:s22] =	ssyncset.done $0x0  }
0x168: {  	[sflag:s22] =	ssyncadd.s32 $0xFFFFD800  }
0x169: {  	_ =	sfence.sel $0x180000  }
0x16a: {  	[bflag:$0x0] =	sbarrier.arrive $0xFFFF  }
0x16b: {  	_ =	strace $0x90000047  }
0x16c: {  	s0 =	stileid.u32;
	[bflag:$0x2] =	sbarrier.arrive $0xFFFF  }
0x16d: {  	p0 =	sne.s32 s0, $0x0;
	s0 =	rddreg [dreg:$0x7]  }
0x16e: {  	s0 =	sadd.s32 @!p0 $0x100000, s0  }
0x16f: {  	[sflag:s0] =	ssyncadd.tile.s32 @!p0 $0x1;
	_ =	shalt  }
.Lfunc_end2:
_tile_overlayer_lowered:
.L_overlay_start_2:
0x170: {  	(tag) =	ssettag $0x2  }
0x171: {  	s0 =	rddreg [dreg:$0x0];
	s2 =	stileid.u32  }
0x172: {  	s1 =	rddreg [dreg:$0x1];
	p0 =	sne.s32 s2, $0x0  }
0x173: {  	s3 =	rddreg [dreg:$0x2];
	[bflag:$0x3] =	sbarrier.arrive $0xFFFF;
	s2 =	simm.s32 @!p0 $0x1C01  }
0x174: {  	[timem:s3], [sflag:s2] =	dma.local @!p0 [hbm:s0], s1  }
0x175: {  	s0 =	simm.s32 @!p0 $0x1  }
0x176: {  	_ =	swait.ge @!p0 [sflag:s0], s1  }
0x177: {  	s1 =	ssub.s32 @!p0 $0x0, s1;
	[sflag:s0] =	ssyncset.done @!p0 $0x0  }
0x178: {  	[sflag:s0] =	ssyncadd.s32 @!p0 s1  }
0x179: {  	[bflag:$0x3] =	sbarrier.arrive $0xFFFF  }
0x17a: {  	_ =	shalt  }

</sc_bundles>
